<compile_context>
chip_gen: v7x
topology: tpu7x:2x2x1
jax: 0.10.2.dev20260603
libtpu: 0.0.44.dev20260713+nightly
codegen_flags: <defaults>
</compile_context>

<pallas_src>
import functools

import jax
import jax.numpy as jnp
from jax import lax
from jax.experimental import pallas as pl
from jax.experimental.pallas import tpu as pltpu
from jax.experimental.pallas import tpu_sc as plsc

_NC, _NS, _NL = 2, 16, 16
_NBUF = 6


@functools.partial(jax.jit, static_argnames=("b", "l", "d"))
def _shifted_embed(xt, table, b, l, d):
  nc, ns, nl = _NC, _NS, _NL
  nw = nc * ns
  bw = b // nw
  p = l - 1
  assert bw % 128 == 0 and d % nl == 0 and _NBUF + 2 <= 8 <= l

  mesh = plsc.VectorSubcoreMesh(
      core_axis_name="c", subcore_axis_name="s", num_cores=nc, num_subcores=ns)

  buf_t = pltpu.VMEM((bw, d), jnp.float32)

  @functools.partial(
      pl.kernel,
      out_type=jax.ShapeDtypeStruct((l, b, d), jnp.float32),
      mesh=mesh,
      scratch_types=[
          pltpu.VMEM((l, bw), jnp.int32),
          [buf_t] * (_NBUF + 1),
          [pltpu.SemaphoreType.DMA] * (_NBUF + 1),
          [pltpu.SemaphoreType.DMA] * _NBUF,
      ],
      compiler_params=pltpu.CompilerParams(needs_layout_passes=False),
  )
  def k(xt_hbm, table_hbm, z_hbm, out_hbm, xv, bufs, gsems, osems):
    wid = lax.axis_index("s") * nc + lax.axis_index("c")
    b0 = wid * bw
    zbuf, zsem = bufs[_NBUF], gsems[_NBUF]

    def _plane_dst(li):
      return out_hbm.at[li].at[pl.ds(b0, bw)]

    pltpu.async_copy(z_hbm, zbuf, zsem)
    pltpu.sync_copy(xt_hbm.at[pl.ds(0, 8)].at[:, pl.ds(b0, bw)],
                    xv.at[pl.ds(0, 8)])

    def fire(li, q):
      pltpu.async_copy(table_hbm.at[xv.at[li + 1]], bufs[q], gsems[q])

    for q in range(_NBUF):
      fire(q, q)

    pltpu.sync_copy(xt_hbm.at[pl.ds(8, l - 8)].at[:, pl.ds(b0, bw)],
                    xv.at[pl.ds(8, l - 8)])
    pltpu.make_async_copy(z_hbm, zbuf, zsem).wait()
    pltpu.async_copy(zbuf, _plane_dst(l - 1), zsem)

    def body(t, _):
      for q in range(_NBUF):
        j = t * _NBUF + q
        pltpu.make_async_copy(table_hbm.at[xv.at[0]], bufs[q],
                              gsems[q]).wait()
        pltpu.async_copy(bufs[q], _plane_dst(j), osems[q])
      for q in range(_NBUF):
        j = t * _NBUF + q
        pltpu.make_async_copy(bufs[q], _plane_dst(j), osems[q]).wait()

        @pl.when(j + _NBUF < p)
        def _():
          fire(j + _NBUF, q)

      return _

    lax.fori_loop(0, p // _NBUF, body, None)

    pltpu.make_async_copy(table_hbm.at[xv.at[0]], bufs[0], gsems[0]).wait()
    pltpu.sync_copy(bufs[0], _plane_dst(p - 1))
    pltpu.make_async_copy(zbuf, _plane_dst(l - 1), zsem).wait()

  return k(xt, table, jnp.zeros((b // nw, d), jnp.float32))


def kernel(x, table):
  b, l = x.shape
  v, d = table.shape
  out = _shifted_embed(x.astype(jnp.int32).T, table, b, l, d)
  return out.transpose(1, 0, 2)

# --- scband reference (transcript-rebuilt; emitter-appended) ---
"""Pipeline reference for scband-shifted-embedding-16922171146697 (READ-ONLY COPY).

The authoritative reference and input builder live on the scoring server;
editing this copy changes nothing except your own understanding.
"""

import jax, jax.numpy as jnp
import numpy as np

VOCAB = 100000
EMB = 128
B = 4096
L = 50

def setup_inputs(seed: int = 0) -> dict:
    key = jax.random.key(seed)
    k_idx, k_tab = jax.random.split(key)
    x = jax.random.randint(k_idx, (B, L), 0, VOCAB, dtype=jnp.int64 if jax.config.jax_enable_x64 else jnp.int32)
    table = jax.random.normal(k_tab, (VOCAB, EMB), dtype=jnp.float32)
    return {"x": x, "table": table}

def reference(x, table):
    # embedding lookup
    emb = jnp.take(table, x, axis=0)  # [B, L, EMB]
    # shifted: drop first position along dim=1, append zeros at the end
    out = jnp.concatenate([emb[:, 1:], jnp.zeros_like(emb[:, :1])], axis=1)
    return out

if __name__ == "__main__":
    import jax
    _d = setup_inputs()
    print(jax.jit(kernel)(*tuple(_d.values())))

</pallas_src>

<mosaic_0001>
#map = affine_map<(d0, d1) -> (0, 0)>
#map1 = affine_map<(d0, d1) -> (0, 0, 0)>
module attributes {stable_mosaic.version = 14 : i64} {
  func.func @k(%arg0: i32, %arg1: i32, %arg2: memref<50x4096xi32, #tpu.memory_space<hbm>>, %arg3: memref<100000x128xf32, #tpu.memory_space<hbm>>, %arg4: memref<128x128xf32, #tpu.memory_space<hbm>>, %arg5: memref<50x4096x128xf32, #tpu.memory_space<hbm>>, %arg6: memref<50x128xi32, #tpu.memory_space<vmem>>, %arg7: memref<128x128xf32, #tpu.memory_space<vmem>>, %arg8: memref<128x128xf32, #tpu.memory_space<vmem>>, %arg9: memref<128x128xf32, #tpu.memory_space<vmem>>, %arg10: memref<128x128xf32, #tpu.memory_space<vmem>>, %arg11: memref<128x128xf32, #tpu.memory_space<vmem>>, %arg12: memref<128x128xf32, #tpu.memory_space<vmem>>, %arg13: memref<128x128xf32, #tpu.memory_space<vmem>>, %arg14: memref<!tpu.dma_semaphore, #tpu.memory_space<semaphore_mem>>, %arg15: memref<!tpu.dma_semaphore, #tpu.memory_space<semaphore_mem>>, %arg16: memref<!tpu.dma_semaphore, #tpu.memory_space<semaphore_mem>>, %arg17: memref<!tpu.dma_semaphore, #tpu.memory_space<semaphore_mem>>, %arg18: memref<!tpu.dma_semaphore, #tpu.memory_space<semaphore_mem>>, %arg19: memref<!tpu.dma_semaphore, #tpu.memory_space<semaphore_mem>>, %arg20: memref<!tpu.dma_semaphore, #tpu.memory_space<semaphore_mem>>, %arg21: memref<!tpu.dma_semaphore, #tpu.memory_space<semaphore_mem>>, %arg22: memref<!tpu.dma_semaphore, #tpu.memory_space<semaphore_mem>>, %arg23: memref<!tpu.dma_semaphore, #tpu.memory_space<semaphore_mem>>, %arg24: memref<!tpu.dma_semaphore, #tpu.memory_space<semaphore_mem>>, %arg25: memref<!tpu.dma_semaphore, #tpu.memory_space<semaphore_mem>>, %arg26: memref<!tpu.dma_semaphore, #tpu.memory_space<semaphore_mem>>) attributes {dimension_semantics = [#tpu.dimension_semantics<core_parallel>, #tpu.dimension_semantics<subcore_parallel>], iteration_bounds = array<i64: 2, 16>, scalar_prefetch = 0 : i64, scratch_operands = 21 : i64, tpu.core_type = #tpu.core_type<sc_vector_subcore>, window_params = [{transform_indices = #map}, {transform_indices = #map}, {transform_indices = #map}, {transform_indices = #map1}]} {
    %mul3A = arith.constant 2 : i32
    %mul3A_0 = arith.muli %arg1, %mul3A : i32
    %add3A = arith.addi %mul3A_0, %arg0 : i32
    %mul3A_1 = arith.constant 128 : i32
    %mul3A_2 = arith.muli %add3A, %mul3A_1 : i32
    tpu.enqueue_dma source(%arg4 : memref<128x128xf32, #tpu.memory_space<hbm>>) target(%arg13 : memref<128x128xf32, #tpu.memory_space<vmem>>) target_semaphore(%arg20 : memref<!tpu.dma_semaphore, #tpu.memory_space<semaphore_mem>>)
    "tpu.region"() ({
      %run_scoped3A_80 = tpu.sem_alloc : memref<!tpu.dma_semaphore, #tpu.memory_space<semaphore_mem>>
      %dma_start3A_81 = arith.constant 0 : i32
      %dma_start3A_82 = arith.constant 0 : i32
      %dma_start3A_83 = tpu.memref_slice %arg6[%dma_start3A_81, %dma_start3A_82] : memref<50x128xi32, #tpu.memory_space<vmem>> -> memref<8x128xi32, #tpu.memory_space<vmem>>
      %dma_start3A_84 = arith.constant 0 : i32
      %dma_start3A_85 = arith.constant 0 : i32
      %dma_start3A_86 = tpu.memref_slice %arg2[%dma_start3A_84, %dma_start3A_85] : memref<50x4096xi32, #tpu.memory_space<hbm>> -> memref<8x4096xi32, #tpu.memory_space<hbm>>
      %dma_start3A_87 = arith.constant 0 : i32
      %dma_start3A_88 = tpu.memref_slice %dma_start3A_86[%dma_start3A_87, %mul3A_2] : memref<8x4096xi32, #tpu.memory_space<hbm>> -> memref<8x128xi32, #tpu.memory_space<hbm>>
      %dma_start3A_89 = arith.constant 0 : i32
      %dma_start3A_90 = arith.constant 0 : i32
      %dma_start3A_91 = tpu.memref_slice %arg6[%dma_start3A_89, %dma_start3A_90] : memref<50x128xi32, #tpu.memory_space<vmem>> -> memref<8x128xi32, #tpu.memory_space<vmem>>
      %dma_start3A_92 = arith.constant 0 : i32
      %dma_start3A_93 = arith.constant 0 : i32
      %dma_start3A_94 = tpu.memref_slice %arg2[%dma_start3A_92, %dma_start3A_93] : memref<50x4096xi32, #tpu.memory_space<hbm>> -> memref<8x4096xi32, #tpu.memory_space<hbm>>
      %dma_start3A_95 = arith.constant 0 : i32
      %dma_start3A_96 = tpu.memref_slice %dma_start3A_94[%dma_start3A_95, %mul3A_2] : memref<8x4096xi32, #tpu.memory_space<hbm>> -> memref<8x128xi32, #tpu.memory_space<hbm>>
      tpu.enqueue_dma source(%dma_start3A_96 : memref<8x128xi32, #tpu.memory_space<hbm>>) target(%dma_start3A_91 : memref<8x128xi32, #tpu.memory_space<vmem>>) target_semaphore(%run_scoped3A_80 : memref<!tpu.dma_semaphore, #tpu.memory_space<semaphore_mem>>)
      %dma_wait3A_97 = arith.constant 0 : i32
      %dma_wait3A_98 = arith.constant 0 : i32
      %dma_wait3A_99 = tpu.memref_slice %arg6[%dma_wait3A_97, %dma_wait3A_98] : memref<50x128xi32, #tpu.memory_space<vmem>> -> memref<8x128xi32, #tpu.memory_space<vmem>>
      %dma_wait3A_100 = arith.constant 0 : i32
      %dma_wait3A_101 = arith.constant 0 : i32
      %dma_wait3A_102 = tpu.memref_slice %arg2[%dma_wait3A_100, %dma_wait3A_101] : memref<50x4096xi32, #tpu.memory_space<hbm>> -> memref<8x4096xi32, #tpu.memory_space<hbm>>
      %dma_wait3A_103 = arith.constant 0 : i32
      %dma_wait3A_104 = tpu.memref_slice %dma_wait3A_102[%dma_wait3A_103, %mul3A_2] : memref<8x4096xi32, #tpu.memory_space<hbm>> -> memref<8x128xi32, #tpu.memory_space<hbm>>
      %dma_wait3A_105 = arith.constant 0 : i32
      %dma_wait3A_106 = arith.constant 0 : i32
      %dma_wait3A_107 = tpu.memref_slice %arg6[%dma_wait3A_105, %dma_wait3A_106] : memref<50x128xi32, #tpu.memory_space<vmem>> -> memref<8x128xi32, #tpu.memory_space<vmem>>
      %dma_wait3A_108 = arith.constant 0 : i32
      %dma_wait3A_109 = arith.constant 0 : i32
      %dma_wait3A_110 = tpu.memref_slice %arg2[%dma_wait3A_108, %dma_wait3A_109] : memref<50x4096xi32, #tpu.memory_space<hbm>> -> memref<8x4096xi32, #tpu.memory_space<hbm>>
      %dma_wait3A_111 = arith.constant 0 : i32
      %dma_wait3A_112 = tpu.memref_slice %dma_wait3A_110[%dma_wait3A_111, %mul3A_2] : memref<8x4096xi32, #tpu.memory_space<hbm>> -> memref<8x128xi32, #tpu.memory_space<hbm>>
      tpu.wait_dma2 semaphore(%run_scoped3A_80 : memref<!tpu.dma_semaphore, #tpu.memory_space<semaphore_mem>>) src(%dma_wait3A_112 : memref<8x128xi32, #tpu.memory_space<hbm>>) dst(%dma_wait3A_107 : memref<8x128xi32, #tpu.memory_space<vmem>>)
      tpu.yield
    }) : () -> ()
    %dma_start3A = arith.constant 1 : i32
    %dma_start3A_3 = arith.constant 0 : i32
    %dma_start3A_4 = tpu.memref_slice %arg6[%dma_start3A, %dma_start3A_3] : memref<50x128xi32, #tpu.memory_space<vmem>> -> memref<1x128xi32, #tpu.memory_space<vmem>>
    %dma_start3A_5 = tpu.memref_squeeze %dma_start3A_4 : memref<1x128xi32, #tpu.memory_space<vmem>> -> memref<128xi32, #tpu.memory_space<vmem>>
    %dma_start3A_6 = arith.constant 0 : i32
    %dma_start3A_7 = arith.constant 0 : i32
    %dma_start3A_8 = tpu.memref_slice %arg3[%dma_start3A_6, %dma_start3A_7] : memref<100000x128xf32, #tpu.memory_space<hbm>> -> memref<100000x128xf32, #tpu.memory_space<hbm>>
    tpu.enqueue_indirect_dma source(%dma_start3A_8 : memref<100000x128xf32, #tpu.memory_space<hbm>>) target(%arg7 : memref<128x128xf32, #tpu.memory_space<vmem>>) offsets(%dma_start3A_5 : memref<128xi32, #tpu.memory_space<vmem>>) semaphore(%arg14 : memref<!tpu.dma_semaphore, #tpu.memory_space<semaphore_mem>>)
    %dma_start3A_9 = arith.constant 2 : i32
    %dma_start3A_10 = arith.constant 0 : i32
    %dma_start3A_11 = tpu.memref_slice %arg6[%dma_start3A_9, %dma_start3A_10] : memref<50x128xi32, #tpu.memory_space<vmem>> -> memref<1x128xi32, #tpu.memory_space<vmem>>
    %dma_start3A_12 = tpu.memref_squeeze %dma_start3A_11 : memref<1x128xi32, #tpu.memory_space<vmem>> -> memref<128xi32, #tpu.memory_space<vmem>>
    %dma_start3A_13 = arith.constant 0 : i32
    %dma_start3A_14 = arith.constant 0 : i32
    %dma_start3A_15 = tpu.memref_slice %arg3[%dma_start3A_13, %dma_start3A_14] : memref<100000x128xf32, #tpu.memory_space<hbm>> -> memref<100000x128xf32, #tpu.memory_space<hbm>>
    tpu.enqueue_indirect_dma source(%dma_start3A_15 : memref<100000x128xf32, #tpu.memory_space<hbm>>) target(%arg8 : memref<128x128xf32, #tpu.memory_space<vmem>>) offsets(%dma_start3A_12 : memref<128xi32, #tpu.memory_space<vmem>>) semaphore(%arg15 : memref<!tpu.dma_semaphore, #tpu.memory_space<semaphore_mem>>)
    %dma_start3A_16 = arith.constant 3 : i32
    %dma_start3A_17 = arith.constant 0 : i32
    %dma_start3A_18 = tpu.memref_slice %arg6[%dma_start3A_16, %dma_start3A_17] : memref<50x128xi32, #tpu.memory_space<vmem>> -> memref<1x128xi32, #tpu.memory_space<vmem>>
    %dma_start3A_19 = tpu.memref_squeeze %dma_start3A_18 : memref<1x128xi32, #tpu.memory_space<vmem>> -> memref<128xi32, #tpu.memory_space<vmem>>
    %dma_start3A_20 = arith.constant 0 : i32
    %dma_start3A_21 = arith.constant 0 : i32
    %dma_start3A_22 = tpu.memref_slice %arg3[%dma_start3A_20, %dma_start3A_21] : memref<100000x128xf32, #tpu.memory_space<hbm>> -> memref<100000x128xf32, #tpu.memory_space<hbm>>
    tpu.enqueue_indirect_dma source(%dma_start3A_22 : memref<100000x128xf32, #tpu.memory_space<hbm>>) target(%arg9 : memref<128x128xf32, #tpu.memory_space<vmem>>) offsets(%dma_start3A_19 : memref<128xi32, #tpu.memory_space<vmem>>) semaphore(%arg16 : memref<!tpu.dma_semaphore, #tpu.memory_space<semaphore_mem>>)
    %dma_start3A_23 = arith.constant 4 : i32
    %dma_start3A_24 = arith.constant 0 : i32
    %dma_start3A_25 = tpu.memref_slice %arg6[%dma_start3A_23, %dma_start3A_24] : memref<50x128xi32, #tpu.memory_space<vmem>> -> memref<1x128xi32, #tpu.memory_space<vmem>>
    %dma_start3A_26 = tpu.memref_squeeze %dma_start3A_25 : memref<1x128xi32, #tpu.memory_space<vmem>> -> memref<128xi32, #tpu.memory_space<vmem>>
    %dma_start3A_27 = arith.constant 0 : i32
    %dma_start3A_28 = arith.constant 0 : i32
    %dma_start3A_29 = tpu.memref_slice %arg3[%dma_start3A_27, %dma_start3A_28] : memref<100000x128xf32, #tpu.memory_space<hbm>> -> memref<100000x128xf32, #tpu.memory_space<hbm>>
    tpu.enqueue_indirect_dma source(%dma_start3A_29 : memref<100000x128xf32, #tpu.memory_space<hbm>>) target(%arg10 : memref<128x128xf32, #tpu.memory_space<vmem>>) offsets(%dma_start3A_26 : memref<128xi32, #tpu.memory_space<vmem>>) semaphore(%arg17 : memref<!tpu.dma_semaphore, #tpu.memory_space<semaphore_mem>>)
    %dma_start3A_30 = arith.constant 5 : i32
    %dma_start3A_31 = arith.constant 0 : i32
    %dma_start3A_32 = tpu.memref_slice %arg6[%dma_start3A_30, %dma_start3A_31] : memref<50x128xi32, #tpu.memory_space<vmem>> -> memref<1x128xi32, #tpu.memory_space<vmem>>
    %dma_start3A_33 = tpu.memref_squeeze %dma_start3A_32 : memref<1x128xi32, #tpu.memory_space<vmem>> -> memref<128xi32, #tpu.memory_space<vmem>>
    %dma_start3A_34 = arith.constant 0 : i32
    %dma_start3A_35 = arith.constant 0 : i32
    %dma_start3A_36 = tpu.memref_slice %arg3[%dma_start3A_34, %dma_start3A_35] : memref<100000x128xf32, #tpu.memory_space<hbm>> -> memref<100000x128xf32, #tpu.memory_space<hbm>>
    tpu.enqueue_indirect_dma source(%dma_start3A_36 : memref<100000x128xf32, #tpu.memory_space<hbm>>) target(%arg11 : memref<128x128xf32, #tpu.memory_space<vmem>>) offsets(%dma_start3A_33 : memref<128xi32, #tpu.memory_space<vmem>>) semaphore(%arg18 : memref<!tpu.dma_semaphore, #tpu.memory_space<semaphore_mem>>)
    %dma_start3A_37 = arith.constant 6 : i32
    %dma_start3A_38 = arith.constant 0 : i32
    %dma_start3A_39 = tpu.memref_slice %arg6[%dma_start3A_37, %dma_start3A_38] : memref<50x128xi32, #tpu.memory_space<vmem>> -> memref<1x128xi32, #tpu.memory_space<vmem>>
    %dma_start3A_40 = tpu.memref_squeeze %dma_start3A_39 : memref<1x128xi32, #tpu.memory_space<vmem>> -> memref<128xi32, #tpu.memory_space<vmem>>
    %dma_start3A_41 = arith.constant 0 : i32
    %dma_start3A_42 = arith.constant 0 : i32
    %dma_start3A_43 = tpu.memref_slice %arg3[%dma_start3A_41, %dma_start3A_42] : memref<100000x128xf32, #tpu.memory_space<hbm>> -> memref<100000x128xf32, #tpu.memory_space<hbm>>
    tpu.enqueue_indirect_dma source(%dma_start3A_43 : memref<100000x128xf32, #tpu.memory_space<hbm>>) target(%arg12 : memref<128x128xf32, #tpu.memory_space<vmem>>) offsets(%dma_start3A_40 : memref<128xi32, #tpu.memory_space<vmem>>) semaphore(%arg19 : memref<!tpu.dma_semaphore, #tpu.memory_space<semaphore_mem>>)
    "tpu.region"() ({
      %run_scoped3A_80 = tpu.sem_alloc : memref<!tpu.dma_semaphore, #tpu.memory_space<semaphore_mem>>
      %dma_start3A_81 = arith.constant 8 : i32
      %dma_start3A_82 = arith.constant 0 : i32
      %dma_start3A_83 = tpu.memref_slice %arg6[%dma_start3A_81, %dma_start3A_82] : memref<50x128xi32, #tpu.memory_space<vmem>> -> memref<42x128xi32, #tpu.memory_space<vmem>>
      %dma_start3A_84 = arith.constant 8 : i32
      %dma_start3A_85 = arith.constant 0 : i32
      %dma_start3A_86 = tpu.memref_slice %arg2[%dma_start3A_84, %dma_start3A_85] : memref<50x4096xi32, #tpu.memory_space<hbm>> -> memref<42x4096xi32, #tpu.memory_space<hbm>>
      %dma_start3A_87 = arith.constant 0 : i32
      %dma_start3A_88 = tpu.memref_slice %dma_start3A_86[%dma_start3A_87, %mul3A_2] : memref<42x4096xi32, #tpu.memory_space<hbm>> -> memref<42x128xi32, #tpu.memory_space<hbm>>
      %dma_start3A_89 = arith.constant 8 : i32
      %dma_start3A_90 = arith.constant 0 : i32
      %dma_start3A_91 = tpu.memref_slice %arg6[%dma_start3A_89, %dma_start3A_90] : memref<50x128xi32, #tpu.memory_space<vmem>> -> memref<42x128xi32, #tpu.memory_space<vmem>>
      %dma_start3A_92 = arith.constant 8 : i32
      %dma_start3A_93 = arith.constant 0 : i32
      %dma_start3A_94 = tpu.memref_slice %arg2[%dma_start3A_92, %dma_start3A_93] : memref<50x4096xi32, #tpu.memory_space<hbm>> -> memref<42x4096xi32, #tpu.memory_space<hbm>>
      %dma_start3A_95 = arith.constant 0 : i32
      %dma_start3A_96 = tpu.memref_slice %dma_start3A_94[%dma_start3A_95, %mul3A_2] : memref<42x4096xi32, #tpu.memory_space<hbm>> -> memref<42x128xi32, #tpu.memory_space<hbm>>
      tpu.enqueue_dma source(%dma_start3A_96 : memref<42x128xi32, #tpu.memory_space<hbm>>) target(%dma_start3A_91 : memref<42x128xi32, #tpu.memory_space<vmem>>) target_semaphore(%run_scoped3A_80 : memref<!tpu.dma_semaphore, #tpu.memory_space<semaphore_mem>>)
      %dma_wait3A_97 = arith.constant 8 : i32
      %dma_wait3A_98 = arith.constant 0 : i32
      %dma_wait3A_99 = tpu.memref_slice %arg6[%dma_wait3A_97, %dma_wait3A_98] : memref<50x128xi32, #tpu.memory_space<vmem>> -> memref<42x128xi32, #tpu.memory_space<vmem>>
      %dma_wait3A_100 = arith.constant 8 : i32
      %dma_wait3A_101 = arith.constant 0 : i32
      %dma_wait3A_102 = tpu.memref_slice %arg2[%dma_wait3A_100, %dma_wait3A_101] : memref<50x4096xi32, #tpu.memory_space<hbm>> -> memref<42x4096xi32, #tpu.memory_space<hbm>>
      %dma_wait3A_103 = arith.constant 0 : i32
      %dma_wait3A_104 = tpu.memref_slice %dma_wait3A_102[%dma_wait3A_103, %mul3A_2] : memref<42x4096xi32, #tpu.memory_space<hbm>> -> memref<42x128xi32, #tpu.memory_space<hbm>>
      %dma_wait3A_105 = arith.constant 8 : i32
      %dma_wait3A_106 = arith.constant 0 : i32
      %dma_wait3A_107 = tpu.memref_slice %arg6[%dma_wait3A_105, %dma_wait3A_106] : memref<50x128xi32, #tpu.memory_space<vmem>> -> memref<42x128xi32, #tpu.memory_space<vmem>>
      %dma_wait3A_108 = arith.constant 8 : i32
      %dma_wait3A_109 = arith.constant 0 : i32
      %dma_wait3A_110 = tpu.memref_slice %arg2[%dma_wait3A_108, %dma_wait3A_109] : memref<50x4096xi32, #tpu.memory_space<hbm>> -> memref<42x4096xi32, #tpu.memory_space<hbm>>
      %dma_wait3A_111 = arith.constant 0 : i32
      %dma_wait3A_112 = tpu.memref_slice %dma_wait3A_110[%dma_wait3A_111, %mul3A_2] : memref<42x4096xi32, #tpu.memory_space<hbm>> -> memref<42x128xi32, #tpu.memory_space<hbm>>
      tpu.wait_dma2 semaphore(%run_scoped3A_80 : memref<!tpu.dma_semaphore, #tpu.memory_space<semaphore_mem>>) src(%dma_wait3A_112 : memref<42x128xi32, #tpu.memory_space<hbm>>) dst(%dma_wait3A_107 : memref<42x128xi32, #tpu.memory_space<vmem>>)
      tpu.yield
    }) : () -> ()
    tpu.wait_dma2 semaphore(%arg20 : memref<!tpu.dma_semaphore, #tpu.memory_space<semaphore_mem>>) src(%arg4 : memref<128x128xf32, #tpu.memory_space<hbm>>) dst(%arg13 : memref<128x128xf32, #tpu.memory_space<vmem>>)
    %dma_start3A_44 = arith.constant 49 : i32
    %dma_start3A_45 = arith.constant 0 : i32
    %dma_start3A_46 = arith.constant 0 : i32
    %dma_start3A_47 = tpu.memref_slice %arg5[%dma_start3A_44, %dma_start3A_45, %dma_start3A_46] : memref<50x4096x128xf32, #tpu.memory_space<hbm>> -> memref<1x4096x128xf32, #tpu.memory_space<hbm>>
    %dma_start3A_48 = tpu.memref_squeeze %dma_start3A_47 : memref<1x4096x128xf32, #tpu.memory_space<hbm>> -> memref<4096x128xf32, #tpu.memory_space<hbm>>
    %dma_start3A_49 = arith.constant 0 : i32
    %dma_start3A_50 = tpu.memref_slice %dma_start3A_48[%mul3A_2, %dma_start3A_49] : memref<4096x128xf32, #tpu.memory_space<hbm>> -> memref<128x128xf32, #tpu.memory_space<hbm>>
    %dma_start3A_51 = arith.constant 0 : i32
    %dma_start3A_52 = arith.constant 0 : i32
    %dma_start3A_53 = tpu.memref_slice %arg5[%dma_start3A_44, %dma_start3A_51, %dma_start3A_52] : memref<50x4096x128xf32, #tpu.memory_space<hbm>> -> memref<1x4096x128xf32, #tpu.memory_space<hbm>>
    %dma_start3A_54 = tpu.memref_squeeze %dma_start3A_53 : memref<1x4096x128xf32, #tpu.memory_space<hbm>> -> memref<4096x128xf32, #tpu.memory_space<hbm>>
    %dma_start3A_55 = arith.constant 0 : i32
    %dma_start3A_56 = tpu.memref_slice %dma_start3A_54[%mul3A_2, %dma_start3A_55] : memref<4096x128xf32, #tpu.memory_space<hbm>> -> memref<128x128xf32, #tpu.memory_space<hbm>>
    tpu.enqueue_dma source(%arg13 : memref<128x128xf32, #tpu.memory_space<vmem>>) target(%dma_start3A_56 : memref<128x128xf32, #tpu.memory_space<hbm>>) target_semaphore(%arg20 : memref<!tpu.dma_semaphore, #tpu.memory_space<semaphore_mem>>)
    %scan3A = arith.constant 0 : i32
    %scan3A_57 = arith.constant 8 : i32
    %scan3A_58 = arith.addi %scan3A, %scan3A_57 : i32
    %scan3A_59 = arith.constant 1 : i32
    scf.for %scan3A_80 = %scan3A to %scan3A_58 step %scan3A_59  : i32 {
      %mul3A_81 = arith.constant 6 : i32
      %mul3A_82 = arith.muli %scan3A_80, %mul3A_81 : i32
      %add3A_83 = arith.constant 0 : i32
      %add3A_84 = arith.addi %mul3A_82, %add3A_83 : i32
      %dma_wait3A_85 = arith.constant 0 : i32
      %dma_wait3A_86 = arith.constant 0 : i32
      %dma_wait3A_87 = tpu.memref_slice %arg6[%dma_wait3A_85, %dma_wait3A_86] : memref<50x128xi32, #tpu.memory_space<vmem>> -> memref<1x128xi32, #tpu.memory_space<vmem>>
      %dma_wait3A_88 = tpu.memref_squeeze %dma_wait3A_87 : memref<1x128xi32, #tpu.memory_space<vmem>> -> memref<128xi32, #tpu.memory_space<vmem>>
      %dma_wait3A_89 = arith.constant 0 : i32
      %dma_wait3A_90 = arith.constant 0 : i32
      %dma_wait3A_91 = tpu.memref_slice %arg3[%dma_wait3A_89, %dma_wait3A_90] : memref<100000x128xf32, #tpu.memory_space<hbm>> -> memref<100000x128xf32, #tpu.memory_space<hbm>>
      tpu.wait_indirect_dma semaphore(%arg14 : memref<!tpu.dma_semaphore, #tpu.memory_space<semaphore_mem>>) src(%dma_wait3A_91 : memref<100000x128xf32, #tpu.memory_space<hbm>>) dst(%arg7 : memref<128x128xf32, #tpu.memory_space<vmem>>)
      %dma_start3A_92 = arith.constant 0 : i32
      %dma_start3A_93 = arith.constant 0 : i32
      %dma_start3A_94 = tpu.memref_slice %arg5[%add3A_84, %dma_start3A_92, %dma_start3A_93] : memref<50x4096x128xf32, #tpu.memory_space<hbm>> -> memref<1x4096x128xf32, #tpu.memory_space<hbm>>
      %dma_start3A_95 = tpu.memref_squeeze %dma_start3A_94 : memref<1x4096x128xf32, #tpu.memory_space<hbm>> -> memref<4096x128xf32, #tpu.memory_space<hbm>>
      %dma_start3A_96 = arith.constant 0 : i32
      %dma_start3A_97 = tpu.memref_slice %dma_start3A_95[%mul3A_2, %dma_start3A_96] : memref<4096x128xf32, #tpu.memory_space<hbm>> -> memref<128x128xf32, #tpu.memory_space<hbm>>
      %dma_start3A_98 = arith.constant 0 : i32
      %dma_start3A_99 = arith.constant 0 : i32
      %dma_start3A_100 = tpu.memref_slice %arg5[%add3A_84, %dma_start3A_98, %dma_start3A_99] : memref<50x4096x128xf32, #tpu.memory_space<hbm>> -> memref<1x4096x128xf32, #tpu.memory_space<hbm>>
      %dma_start3A_101 = tpu.memref_squeeze %dma_start3A_100 : memref<1x4096x128xf32, #tpu.memory_space<hbm>> -> memref<4096x128xf32, #tpu.memory_space<hbm>>
      %dma_start3A_102 = arith.constant 0 : i32
      %dma_start3A_103 = tpu.memref_slice %dma_start3A_101[%mul3A_2, %dma_start3A_102] : memref<4096x128xf32, #tpu.memory_space<hbm>> -> memref<128x128xf32, #tpu.memory_space<hbm>>
      tpu.enqueue_dma source(%arg7 : memref<128x128xf32, #tpu.memory_space<vmem>>) target(%dma_start3A_103 : memref<128x128xf32, #tpu.memory_space<hbm>>) target_semaphore(%arg21 : memref<!tpu.dma_semaphore, #tpu.memory_space<semaphore_mem>>)
      %mul3A_104 = arith.constant 6 : i32
      %mul3A_105 = arith.muli %scan3A_80, %mul3A_104 : i32
      %add3A_106 = arith.constant 1 : i32
      %add3A_107 = arith.addi %mul3A_105, %add3A_106 : i32
      %dma_wait3A_108 = arith.constant 0 : i32
      %dma_wait3A_109 = arith.constant 0 : i32
      %dma_wait3A_110 = tpu.memref_slice %arg6[%dma_wait3A_108, %dma_wait3A_109] : memref<50x128xi32, #tpu.memory_space<vmem>> -> memref<1x128xi32, #tpu.memory_space<vmem>>
      %dma_wait3A_111 = tpu.memref_squeeze %dma_wait3A_110 : memref<1x128xi32, #tpu.memory_space<vmem>> -> memref<128xi32, #tpu.memory_space<vmem>>
      %dma_wait3A_112 = arith.constant 0 : i32
      %dma_wait3A_113 = arith.constant 0 : i32
      %dma_wait3A_114 = tpu.memref_slice %arg3[%dma_wait3A_112, %dma_wait3A_113] : memref<100000x128xf32, #tpu.memory_space<hbm>> -> memref<100000x128xf32, #tpu.memory_space<hbm>>
      tpu.wait_indirect_dma semaphore(%arg15 : memref<!tpu.dma_semaphore, #tpu.memory_space<semaphore_mem>>) src(%dma_wait3A_114 : memref<100000x128xf32, #tpu.memory_space<hbm>>) dst(%arg8 : memref<128x128xf32, #tpu.memory_space<vmem>>)
      %dma_start3A_115 = arith.constant 0 : i32
      %dma_start3A_116 = arith.constant 0 : i32
      %dma_start3A_117 = tpu.memref_slice %arg5[%add3A_107, %dma_start3A_115, %dma_start3A_116] : memref<50x4096x128xf32, #tpu.memory_space<hbm>> -> memref<1x4096x128xf32, #tpu.memory_space<hbm>>
      %dma_start3A_118 = tpu.memref_squeeze %dma_start3A_117 : memref<1x4096x128xf32, #tpu.memory_space<hbm>> -> memref<4096x128xf32, #tpu.memory_space<hbm>>
      %dma_start3A_119 = arith.constant 0 : i32
      %dma_start3A_120 = tpu.memref_slice %dma_start3A_118[%mul3A_2, %dma_start3A_119] : memref<4096x128xf32, #tpu.memory_space<hbm>> -> memref<128x128xf32, #tpu.memory_space<hbm>>
      %dma_start3A_121 = arith.constant 0 : i32
      %dma_start3A_122 = arith.constant 0 : i32
      %dma_start3A_123 = tpu.memref_slice %arg5[%add3A_107, %dma_start3A_121, %dma_start3A_122] : memref<50x4096x128xf32, #tpu.memory_space<hbm>> -> memref<1x4096x128xf32, #tpu.memory_space<hbm>>
      %dma_start3A_124 = tpu.memref_squeeze %dma_start3A_123 : memref<1x4096x128xf32, #tpu.memory_space<hbm>> -> memref<4096x128xf32, #tpu.memory_space<hbm>>
      %dma_start3A_125 = arith.constant 0 : i32
      %dma_start3A_126 = tpu.memref_slice %dma_start3A_124[%mul3A_2, %dma_start3A_125] : memref<4096x128xf32, #tpu.memory_space<hbm>> -> memref<128x128xf32, #tpu.memory_space<hbm>>
      tpu.enqueue_dma source(%arg8 : memref<128x128xf32, #tpu.memory_space<vmem>>) target(%dma_start3A_126 : memref<128x128xf32, #tpu.memory_space<hbm>>) target_semaphore(%arg22 : memref<!tpu.dma_semaphore, #tpu.memory_space<semaphore_mem>>)
      %mul3A_127 = arith.constant 6 : i32
      %mul3A_128 = arith.muli %scan3A_80, %mul3A_127 : i32
      %add3A_129 = arith.constant 2 : i32
      %add3A_130 = arith.addi %mul3A_128, %add3A_129 : i32
      %dma_wait3A_131 = arith.constant 0 : i32
      %dma_wait3A_132 = arith.constant 0 : i32
      %dma_wait3A_133 = tpu.memref_slice %arg6[%dma_wait3A_131, %dma_wait3A_132] : memref<50x128xi32, #tpu.memory_space<vmem>> -> memref<1x128xi32, #tpu.memory_space<vmem>>
      %dma_wait3A_134 = tpu.memref_squeeze %dma_wait3A_133 : memref<1x128xi32, #tpu.memory_space<vmem>> -> memref<128xi32, #tpu.memory_space<vmem>>
      %dma_wait3A_135 = arith.constant 0 : i32
      %dma_wait3A_136 = arith.constant 0 : i32
      %dma_wait3A_137 = tpu.memref_slice %arg3[%dma_wait3A_135, %dma_wait3A_136] : memref<100000x128xf32, #tpu.memory_space<hbm>> -> memref<100000x128xf32, #tpu.memory_space<hbm>>
      tpu.wait_indirect_dma semaphore(%arg16 : memref<!tpu.dma_semaphore, #tpu.memory_space<semaphore_mem>>) src(%dma_wait3A_137 : memref<100000x128xf32, #tpu.memory_space<hbm>>) dst(%arg9 : memref<128x128xf32, #tpu.memory_space<vmem>>)
      %dma_start3A_138 = arith.constant 0 : i32
      %dma_start3A_139 = arith.constant 0 : i32
      %dma_start3A_140 = tpu.memref_slice %arg5[%add3A_130, %dma_start3A_138, %dma_start3A_139] : memref<50x4096x128xf32, #tpu.memory_space<hbm>> -> memref<1x4096x128xf32, #tpu.memory_space<hbm>>
      %dma_start3A_141 = tpu.memref_squeeze %dma_start3A_140 : memref<1x4096x128xf32, #tpu.memory_space<hbm>> -> memref<4096x128xf32, #tpu.memory_space<hbm>>
      %dma_start3A_142 = arith.constant 0 : i32
      %dma_start3A_143 = tpu.memref_slice %dma_start3A_141[%mul3A_2, %dma_start3A_142] : memref<4096x128xf32, #tpu.memory_space<hbm>> -> memref<128x128xf32, #tpu.memory_space<hbm>>
      %dma_start3A_144 = arith.constant 0 : i32
      %dma_start3A_145 = arith.constant 0 : i32
      %dma_start3A_146 = tpu.memref_slice %arg5[%add3A_130, %dma_start3A_144, %dma_start3A_145] : memref<50x4096x128xf32, #tpu.memory_space<hbm>> -> memref<1x4096x128xf32, #tpu.memory_space<hbm>>
      %dma_start3A_147 = tpu.memref_squeeze %dma_start3A_146 : memref<1x4096x128xf32, #tpu.memory_space<hbm>> -> memref<4096x128xf32, #tpu.memory_space<hbm>>
      %dma_start3A_148 = arith.constant 0 : i32
      %dma_start3A_149 = tpu.memref_slice %dma_start3A_147[%mul3A_2, %dma_start3A_148] : memref<4096x128xf32, #tpu.memory_space<hbm>> -> memref<128x128xf32, #tpu.memory_space<hbm>>
      tpu.enqueue_dma source(%arg9 : memref<128x128xf32, #tpu.memory_space<vmem>>) target(%dma_start3A_149 : memref<128x128xf32, #tpu.memory_space<hbm>>) target_semaphore(%arg23 : memref<!tpu.dma_semaphore, #tpu.memory_space<semaphore_mem>>)
      %mul3A_150 = arith.constant 6 : i32
      %mul3A_151 = arith.muli %scan3A_80, %mul3A_150 : i32
      %add3A_152 = arith.constant 3 : i32
      %add3A_153 = arith.addi %mul3A_151, %add3A_152 : i32
      %dma_wait3A_154 = arith.constant 0 : i32
      %dma_wait3A_155 = arith.constant 0 : i32
      %dma_wait3A_156 = tpu.memref_slice %arg6[%dma_wait3A_154, %dma_wait3A_155] : memref<50x128xi32, #tpu.memory_space<vmem>> -> memref<1x128xi32, #tpu.memory_space<vmem>>
      %dma_wait3A_157 = tpu.memref_squeeze %dma_wait3A_156 : memref<1x128xi32, #tpu.memory_space<vmem>> -> memref<128xi32, #tpu.memory_space<vmem>>
      %dma_wait3A_158 = arith.constant 0 : i32
      %dma_wait3A_159 = arith.constant 0 : i32
      %dma_wait3A_160 = tpu.memref_slice %arg3[%dma_wait3A_158, %dma_wait3A_159] : memref<100000x128xf32, #tpu.memory_space<hbm>> -> memref<100000x128xf32, #tpu.memory_space<hbm>>
      tpu.wait_indirect_dma semaphore(%arg17 : memref<!tpu.dma_semaphore, #tpu.memory_space<semaphore_mem>>) src(%dma_wait3A_160 : memref<100000x128xf32, #tpu.memory_space<hbm>>) dst(%arg10 : memref<128x128xf32, #tpu.memory_space<vmem>>)
      %dma_start3A_161 = arith.constant 0 : i32
      %dma_start3A_162 = arith.constant 0 : i32
      %dma_start3A_163 = tpu.memref_slice %arg5[%add3A_153, %dma_start3A_161, %dma_start3A_162] : memref<50x4096x128xf32, #tpu.memory_space<hbm>> -> memref<1x4096x128xf32, #tpu.memory_space<hbm>>
      %dma_start3A_164 = tpu.memref_squeeze %dma_start3A_163 : memref<1x4096x128xf32, #tpu.memory_space<hbm>> -> memref<4096x128xf32, #tpu.memory_space<hbm>>
      %dma_start3A_165 = arith.constant 0 : i32
      %dma_start3A_166 = tpu.memref_slice %dma_start3A_164[%mul3A_2, %dma_start3A_165] : memref<4096x128xf32, #tpu.memory_space<hbm>> -> memref<128x128xf32, #tpu.memory_space<hbm>>
      %dma_start3A_167 = arith.constant 0 : i32
      %dma_start3A_168 = arith.constant 0 : i32
      %dma_start3A_169 = tpu.memref_slice %arg5[%add3A_153, %dma_start3A_167, %dma_start3A_168] : memref<50x4096x128xf32, #tpu.memory_space<hbm>> -> memref<1x4096x128xf32, #tpu.memory_space<hbm>>
      %dma_start3A_170 = tpu.memref_squeeze %dma_start3A_169 : memref<1x4096x128xf32, #tpu.memory_space<hbm>> -> memref<4096x128xf32, #tpu.memory_space<hbm>>
      %dma_start3A_171 = arith.constant 0 : i32
      %dma_start3A_172 = tpu.memref_slice %dma_start3A_170[%mul3A_2, %dma_start3A_171] : memref<4096x128xf32, #tpu.memory_space<hbm>> -> memref<128x128xf32, #tpu.memory_space<hbm>>
      tpu.enqueue_dma source(%arg10 : memref<128x128xf32, #tpu.memory_space<vmem>>) target(%dma_start3A_172 : memref<128x128xf32, #tpu.memory_space<hbm>>) target_semaphore(%arg24 : memref<!tpu.dma_semaphore, #tpu.memory_space<semaphore_mem>>)
      %mul3A_173 = arith.constant 6 : i32
      %mul3A_174 = arith.muli %scan3A_80, %mul3A_173 : i32
      %add3A_175 = arith.constant 4 : i32
      %add3A_176 = arith.addi %mul3A_174, %add3A_175 : i32
      %dma_wait3A_177 = arith.constant 0 : i32
      %dma_wait3A_178 = arith.constant 0 : i32
      %dma_wait3A_179 = tpu.memref_slice %arg6[%dma_wait3A_177, %dma_wait3A_178] : memref<50x128xi32, #tpu.memory_space<vmem>> -> memref<1x128xi32, #tpu.memory_space<vmem>>
      %dma_wait3A_180 = tpu.memref_squeeze %dma_wait3A_179 : memref<1x128xi32, #tpu.memory_space<vmem>> -> memref<128xi32, #tpu.memory_space<vmem>>
      %dma_wait3A_181 = arith.constant 0 : i32
      %dma_wait3A_182 = arith.constant 0 : i32
      %dma_wait3A_183 = tpu.memref_slice %arg3[%dma_wait3A_181, %dma_wait3A_182] : memref<100000x128xf32, #tpu.memory_space<hbm>> -> memref<100000x128xf32, #tpu.memory_space<hbm>>
      tpu.wait_indirect_dma semaphore(%arg18 : memref<!tpu.dma_semaphore, #tpu.memory_space<semaphore_mem>>) src(%dma_wait3A_183 : memref<100000x128xf32, #tpu.memory_space<hbm>>) dst(%arg11 : memref<128x128xf32, #tpu.memory_space<vmem>>)
      %dma_start3A_184 = arith.constant 0 : i32
      %dma_start3A_185 = arith.constant 0 : i32
      %dma_start3A_186 = tpu.memref_slice %arg5[%add3A_176, %dma_start3A_184, %dma_start3A_185] : memref<50x4096x128xf32, #tpu.memory_space<hbm>> -> memref<1x4096x128xf32, #tpu.memory_space<hbm>>
      %dma_start3A_187 = tpu.memref_squeeze %dma_start3A_186 : memref<1x4096x128xf32, #tpu.memory_space<hbm>> -> memref<4096x128xf32, #tpu.memory_space<hbm>>
      %dma_start3A_188 = arith.constant 0 : i32
      %dma_start3A_189 = tpu.memref_slice %dma_start3A_187[%mul3A_2, %dma_start3A_188] : memref<4096x128xf32, #tpu.memory_space<hbm>> -> memref<128x128xf32, #tpu.memory_space<hbm>>
      %dma_start3A_190 = arith.constant 0 : i32
      %dma_start3A_191 = arith.constant 0 : i32
      %dma_start3A_192 = tpu.memref_slice %arg5[%add3A_176, %dma_start3A_190, %dma_start3A_191] : memref<50x4096x128xf32, #tpu.memory_space<hbm>> -> memref<1x4096x128xf32, #tpu.memory_space<hbm>>
      %dma_start3A_193 = tpu.memref_squeeze %dma_start3A_192 : memref<1x4096x128xf32, #tpu.memory_space<hbm>> -> memref<4096x128xf32, #tpu.memory_space<hbm>>
      %dma_start3A_194 = arith.constant 0 : i32
      %dma_start3A_195 = tpu.memref_slice %dma_start3A_193[%mul3A_2, %dma_start3A_194] : memref<4096x128xf32, #tpu.memory_space<hbm>> -> memref<128x128xf32, #tpu.memory_space<hbm>>
      tpu.enqueue_dma source(%arg11 : memref<128x128xf32, #tpu.memory_space<vmem>>) target(%dma_start3A_195 : memref<128x128xf32, #tpu.memory_space<hbm>>) target_semaphore(%arg25 : memref<!tpu.dma_semaphore, #tpu.memory_space<semaphore_mem>>)
      %mul3A_196 = arith.constant 6 : i32
      %mul3A_197 = arith.muli %scan3A_80, %mul3A_196 : i32
      %add3A_198 = arith.constant 5 : i32
      %add3A_199 = arith.addi %mul3A_197, %add3A_198 : i32
      %dma_wait3A_200 = arith.constant 0 : i32
      %dma_wait3A_201 = arith.constant 0 : i32
      %dma_wait3A_202 = tpu.memref_slice %arg6[%dma_wait3A_200, %dma_wait3A_201] : memref<50x128xi32, #tpu.memory_space<vmem>> -> memref<1x128xi32, #tpu.memory_space<vmem>>
      %dma_wait3A_203 = tpu.memref_squeeze %dma_wait3A_202 : memref<1x128xi32, #tpu.memory_space<vmem>> -> memref<128xi32, #tpu.memory_space<vmem>>
      %dma_wait3A_204 = arith.constant 0 : i32
      %dma_wait3A_205 = arith.constant 0 : i32
      %dma_wait3A_206 = tpu.memref_slice %arg3[%dma_wait3A_204, %dma_wait3A_205] : memref<100000x128xf32, #tpu.memory_space<hbm>> -> memref<100000x128xf32, #tpu.memory_space<hbm>>
      tpu.wait_indirect_dma semaphore(%arg19 : memref<!tpu.dma_semaphore, #tpu.memory_space<semaphore_mem>>) src(%dma_wait3A_206 : memref<100000x128xf32, #tpu.memory_space<hbm>>) dst(%arg12 : memref<128x128xf32, #tpu.memory_space<vmem>>)
      %dma_start3A_207 = arith.constant 0 : i32
      %dma_start3A_208 = arith.constant 0 : i32
      %dma_start3A_209 = tpu.memref_slice %arg5[%add3A_199, %dma_start3A_207, %dma_start3A_208] : memref<50x4096x128xf32, #tpu.memory_space<hbm>> -> memref<1x4096x128xf32, #tpu.memory_space<hbm>>
      %dma_start3A_210 = tpu.memref_squeeze %dma_start3A_209 : memref<1x4096x128xf32, #tpu.memory_space<hbm>> -> memref<4096x128xf32, #tpu.memory_space<hbm>>
      %dma_start3A_211 = arith.constant 0 : i32
      %dma_start3A_212 = tpu.memref_slice %dma_start3A_210[%mul3A_2, %dma_start3A_211] : memref<4096x128xf32, #tpu.memory_space<hbm>> -> memref<128x128xf32, #tpu.memory_space<hbm>>
      %dma_start3A_213 = arith.constant 0 : i32
      %dma_start3A_214 = arith.constant 0 : i32
      %dma_start3A_215 = tpu.memref_slice %arg5[%add3A_199, %dma_start3A_213, %dma_start3A_214] : memref<50x4096x128xf32, #tpu.memory_space<hbm>> -> memref<1x4096x128xf32, #tpu.memory_space<hbm>>
      %dma_start3A_216 = tpu.memref_squeeze %dma_start3A_215 : memref<1x4096x128xf32, #tpu.memory_space<hbm>> -> memref<4096x128xf32, #tpu.memory_space<hbm>>
      %dma_start3A_217 = arith.constant 0 : i32
      %dma_start3A_218 = tpu.memref_slice %dma_start3A_216[%mul3A_2, %dma_start3A_217] : memref<4096x128xf32, #tpu.memory_space<hbm>> -> memref<128x128xf32, #tpu.memory_space<hbm>>
      tpu.enqueue_dma source(%arg12 : memref<128x128xf32, #tpu.memory_space<vmem>>) target(%dma_start3A_218 : memref<128x128xf32, #tpu.memory_space<hbm>>) target_semaphore(%arg26 : memref<!tpu.dma_semaphore, #tpu.memory_space<semaphore_mem>>)
      %mul3A_219 = arith.constant 6 : i32
      %mul3A_220 = arith.muli %scan3A_80, %mul3A_219 : i32
      %add3A_221 = arith.constant 0 : i32
      %add3A_222 = arith.addi %mul3A_220, %add3A_221 : i32
      %dma_wait3A_223 = arith.constant 0 : i32
      %dma_wait3A_224 = arith.constant 0 : i32
      %dma_wait3A_225 = tpu.memref_slice %arg5[%add3A_222, %dma_wait3A_223, %dma_wait3A_224] : memref<50x4096x128xf32, #tpu.memory_space<hbm>> -> memref<1x4096x128xf32, #tpu.memory_space<hbm>>
      %dma_wait3A_226 = tpu.memref_squeeze %dma_wait3A_225 : memref<1x4096x128xf32, #tpu.memory_space<hbm>> -> memref<4096x128xf32, #tpu.memory_space<hbm>>
      %dma_wait3A_227 = arith.constant 0 : i32
      %dma_wait3A_228 = tpu.memref_slice %dma_wait3A_226[%mul3A_2, %dma_wait3A_227] : memref<4096x128xf32, #tpu.memory_space<hbm>> -> memref<128x128xf32, #tpu.memory_space<hbm>>
      %dma_wait3A_229 = arith.constant 0 : i32
      %dma_wait3A_230 = arith.constant 0 : i32
      %dma_wait3A_231 = tpu.memref_slice %arg5[%add3A_222, %dma_wait3A_229, %dma_wait3A_230] : memref<50x4096x128xf32, #tpu.memory_space<hbm>> -> memref<1x4096x128xf32, #tpu.memory_space<hbm>>
      %dma_wait3A_232 = tpu.memref_squeeze %dma_wait3A_231 : memref<1x4096x128xf32, #tpu.memory_space<hbm>> -> memref<4096x128xf32, #tpu.memory_space<hbm>>
      %dma_wait3A_233 = arith.constant 0 : i32
      %dma_wait3A_234 = tpu.memref_slice %dma_wait3A_232[%mul3A_2, %dma_wait3A_233] : memref<4096x128xf32, #tpu.memory_space<hbm>> -> memref<128x128xf32, #tpu.memory_space<hbm>>
      tpu.wait_dma2 semaphore(%arg21 : memref<!tpu.dma_semaphore, #tpu.memory_space<semaphore_mem>>) src(%arg7 : memref<128x128xf32, #tpu.memory_space<vmem>>) dst(%dma_wait3A_234 : memref<128x128xf32, #tpu.memory_space<hbm>>)
      %add3A_235 = arith.constant 6 : i32
      %add3A_236 = arith.addi %add3A_222, %add3A_235 : i32
      %lt3A = arith.constant 49 : i32
      %lt3A_237 = arith.cmpi slt, %add3A_236, %lt3A : i32
      %convert_element_type3A = arith.extui %lt3A_237 : i1 to i32
      %cond3A = arith.constant 0 : i32
      %cond3A_238 = arith.cmpi ne, %convert_element_type3A, %cond3A : i32
      scf.if %cond3A_238 {
        %add3A_354 = arith.constant 6 : i32
        %add3A_355 = arith.addi %add3A_222, %add3A_354 : i32
        %add3A_356 = arith.constant 1 : i32
        %add3A_357 = arith.addi %add3A_355, %add3A_356 : i32
        %dma_start3A_358 = arith.constant 0 : i32
        %dma_start3A_359 = tpu.memref_slice %arg6[%add3A_357, %dma_start3A_358] : memref<50x128xi32, #tpu.memory_space<vmem>> -> memref<1x128xi32, #tpu.memory_space<vmem>>
        %dma_start3A_360 = tpu.memref_squeeze %dma_start3A_359 : memref<1x128xi32, #tpu.memory_space<vmem>> -> memref<128xi32, #tpu.memory_space<vmem>>
        %dma_start3A_361 = arith.constant 0 : i32
        %dma_start3A_362 = arith.constant 0 : i32
        %dma_start3A_363 = tpu.memref_slice %arg3[%dma_start3A_361, %dma_start3A_362] : memref<100000x128xf32, #tpu.memory_space<hbm>> -> memref<100000x128xf32, #tpu.memory_space<hbm>>
        tpu.enqueue_indirect_dma source(%dma_start3A_363 : memref<100000x128xf32, #tpu.memory_space<hbm>>) target(%arg7 : memref<128x128xf32, #tpu.memory_space<vmem>>) offsets(%dma_start3A_360 : memref<128xi32, #tpu.memory_space<vmem>>) semaphore(%arg14 : memref<!tpu.dma_semaphore, #tpu.memory_space<semaphore_mem>>)
      } else {
      }
      %mul3A_239 = arith.constant 6 : i32
      %mul3A_240 = arith.muli %scan3A_80, %mul3A_239 : i32
      %add3A_241 = arith.constant 1 : i32
      %add3A_242 = arith.addi %mul3A_240, %add3A_241 : i32
      %dma_wait3A_243 = arith.constant 0 : i32
      %dma_wait3A_244 = arith.constant 0 : i32
      %dma_wait3A_245 = tpu.memref_slice %arg5[%add3A_242, %dma_wait3A_243, %dma_wait3A_244] : memref<50x4096x128xf32, #tpu.memory_space<hbm>> -> memref<1x4096x128xf32, #tpu.memory_space<hbm>>
      %dma_wait3A_246 = tpu.memref_squeeze %dma_wait3A_245 : memref<1x4096x128xf32, #tpu.memory_space<hbm>> -> memref<4096x128xf32, #tpu.memory_space<hbm>>
      %dma_wait3A_247 = arith.constant 0 : i32
      %dma_wait3A_248 = tpu.memref_slice %dma_wait3A_246[%mul3A_2, %dma_wait3A_247] : memref<4096x128xf32, #tpu.memory_space<hbm>> -> memref<128x128xf32, #tpu.memory_space<hbm>>
      %dma_wait3A_249 = arith.constant 0 : i32
      %dma_wait3A_250 = arith.constant 0 : i32
      %dma_wait3A_251 = tpu.memref_slice %arg5[%add3A_242, %dma_wait3A_249, %dma_wait3A_250] : memref<50x4096x128xf32, #tpu.memory_space<hbm>> -> memref<1x4096x128xf32, #tpu.memory_space<hbm>>
      %dma_wait3A_252 = tpu.memref_squeeze %dma_wait3A_251 : memref<1x4096x128xf32, #tpu.memory_space<hbm>> -> memref<4096x128xf32, #tpu.memory_space<hbm>>
      %dma_wait3A_253 = arith.constant 0 : i32
      %dma_wait3A_254 = tpu.memref_slice %dma_wait3A_252[%mul3A_2, %dma_wait3A_253] : memref<4096x128xf32, #tpu.memory_space<hbm>> -> memref<128x128xf32, #tpu.memory_space<hbm>>
      tpu.wait_dma2 semaphore(%arg22 : memref<!tpu.dma_semaphore, #tpu.memory_space<semaphore_mem>>) src(%arg8 : memref<128x128xf32, #tpu.memory_space<vmem>>) dst(%dma_wait3A_254 : memref<128x128xf32, #tpu.memory_space<hbm>>)
      %add3A_255 = arith.constant 6 : i32
      %add3A_256 = arith.addi %add3A_242, %add3A_255 : i32
      %lt3A_257 = arith.constant 49 : i32
      %lt3A_258 = arith.cmpi slt, %add3A_256, %lt3A_257 : i32
      %convert_element_type3A_259 = arith.extui %lt3A_258 : i1 to i32
      %cond3A_260 = arith.constant 0 : i32
      %cond3A_261 = arith.cmpi ne, %convert_element_type3A_259, %cond3A_260 : i32
      scf.if %cond3A_261 {
        %add3A_354 = arith.constant 6 : i32
        %add3A_355 = arith.addi %add3A_242, %add3A_354 : i32
        %add3A_356 = arith.constant 1 : i32
        %add3A_357 = arith.addi %add3A_355, %add3A_356 : i32
        %dma_start3A_358 = arith.constant 0 : i32
        %dma_start3A_359 = tpu.memref_slice %arg6[%add3A_357, %dma_start3A_358] : memref<50x128xi32, #tpu.memory_space<vmem>> -> memref<1x128xi32, #tpu.memory_space<vmem>>
        %dma_start3A_360 = tpu.memref_squeeze %dma_start3A_359 : memref<1x128xi32, #tpu.memory_space<vmem>> -> memref<128xi32, #tpu.memory_space<vmem>>
        %dma_start3A_361 = arith.constant 0 : i32
        %dma_start3A_362 = arith.constant 0 : i32
        %dma_start3A_363 = tpu.memref_slice %arg3[%dma_start3A_361, %dma_start3A_362] : memref<100000x128xf32, #tpu.memory_space<hbm>> -> memref<100000x128xf32, #tpu.memory_space<hbm>>
        tpu.enqueue_indirect_dma source(%dma_start3A_363 : memref<100000x128xf32, #tpu.memory_space<hbm>>) target(%arg8 : memref<128x128xf32, #tpu.memory_space<vmem>>) offsets(%dma_start3A_360 : memref<128xi32, #tpu.memory_space<vmem>>) semaphore(%arg15 : memref<!tpu.dma_semaphore, #tpu.memory_space<semaphore_mem>>)
      } else {
      }
      %mul3A_262 = arith.constant 6 : i32
      %mul3A_263 = arith.muli %scan3A_80, %mul3A_262 : i32
      %add3A_264 = arith.constant 2 : i32
      %add3A_265 = arith.addi %mul3A_263, %add3A_264 : i32
      %dma_wait3A_266 = arith.constant 0 : i32
      %dma_wait3A_267 = arith.constant 0 : i32
      %dma_wait3A_268 = tpu.memref_slice %arg5[%add3A_265, %dma_wait3A_266, %dma_wait3A_267] : memref<50x4096x128xf32, #tpu.memory_space<hbm>> -> memref<1x4096x128xf32, #tpu.memory_space<hbm>>
      %dma_wait3A_269 = tpu.memref_squeeze %dma_wait3A_268 : memref<1x4096x128xf32, #tpu.memory_space<hbm>> -> memref<4096x128xf32, #tpu.memory_space<hbm>>
      %dma_wait3A_270 = arith.constant 0 : i32
      %dma_wait3A_271 = tpu.memref_slice %dma_wait3A_269[%mul3A_2, %dma_wait3A_270] : memref<4096x128xf32, #tpu.memory_space<hbm>> -> memref<128x128xf32, #tpu.memory_space<hbm>>
      %dma_wait3A_272 = arith.constant 0 : i32
      %dma_wait3A_273 = arith.constant 0 : i32
      %dma_wait3A_274 = tpu.memref_slice %arg5[%add3A_265, %dma_wait3A_272, %dma_wait3A_273] : memref<50x4096x128xf32, #tpu.memory_space<hbm>> -> memref<1x4096x128xf32, #tpu.memory_space<hbm>>
      %dma_wait3A_275 = tpu.memref_squeeze %dma_wait3A_274 : memref<1x4096x128xf32, #tpu.memory_space<hbm>> -> memref<4096x128xf32, #tpu.memory_space<hbm>>
      %dma_wait3A_276 = arith.constant 0 : i32
      %dma_wait3A_277 = tpu.memref_slice %dma_wait3A_275[%mul3A_2, %dma_wait3A_276] : memref<4096x128xf32, #tpu.memory_space<hbm>> -> memref<128x128xf32, #tpu.memory_space<hbm>>
      tpu.wait_dma2 semaphore(%arg23 : memref<!tpu.dma_semaphore, #tpu.memory_space<semaphore_mem>>) src(%arg9 : memref<128x128xf32, #tpu.memory_space<vmem>>) dst(%dma_wait3A_277 : memref<128x128xf32, #tpu.memory_space<hbm>>)
      %add3A_278 = arith.constant 6 : i32
      %add3A_279 = arith.addi %add3A_265, %add3A_278 : i32
      %lt3A_280 = arith.constant 49 : i32
      %lt3A_281 = arith.cmpi slt, %add3A_279, %lt3A_280 : i32
      %convert_element_type3A_282 = arith.extui %lt3A_281 : i1 to i32
      %cond3A_283 = arith.constant 0 : i32
      %cond3A_284 = arith.cmpi ne, %convert_element_type3A_282, %cond3A_283 : i32
      scf.if %cond3A_284 {
        %add3A_354 = arith.constant 6 : i32
        %add3A_355 = arith.addi %add3A_265, %add3A_354 : i32
        %add3A_356 = arith.constant 1 : i32
        %add3A_357 = arith.addi %add3A_355, %add3A_356 : i32
        %dma_start3A_358 = arith.constant 0 : i32
        %dma_start3A_359 = tpu.memref_slice %arg6[%add3A_357, %dma_start3A_358] : memref<50x128xi32, #tpu.memory_space<vmem>> -> memref<1x128xi32, #tpu.memory_space<vmem>>
        %dma_start3A_360 = tpu.memref_squeeze %dma_start3A_359 : memref<1x128xi32, #tpu.memory_space<vmem>> -> memref<128xi32, #tpu.memory_space<vmem>>
        %dma_start3A_361 = arith.constant 0 : i32
        %dma_start3A_362 = arith.constant 0 : i32
        %dma_start3A_363 = tpu.memref_slice %arg3[%dma_start3A_361, %dma_start3A_362] : memref<100000x128xf32, #tpu.memory_space<hbm>> -> memref<100000x128xf32, #tpu.memory_space<hbm>>
        tpu.enqueue_indirect_dma source(%dma_start3A_363 : memref<100000x128xf32, #tpu.memory_space<hbm>>) target(%arg9 : memref<128x128xf32, #tpu.memory_space<vmem>>) offsets(%dma_start3A_360 : memref<128xi32, #tpu.memory_space<vmem>>) semaphore(%arg16 : memref<!tpu.dma_semaphore, #tpu.memory_space<semaphore_mem>>)
      } else {
      }
      %mul3A_285 = arith.constant 6 : i32
      %mul3A_286 = arith.muli %scan3A_80, %mul3A_285 : i32
      %add3A_287 = arith.constant 3 : i32
      %add3A_288 = arith.addi %mul3A_286, %add3A_287 : i32
      %dma_wait3A_289 = arith.constant 0 : i32
      %dma_wait3A_290 = arith.constant 0 : i32
      %dma_wait3A_291 = tpu.memref_slice %arg5[%add3A_288, %dma_wait3A_289, %dma_wait3A_290] : memref<50x4096x128xf32, #tpu.memory_space<hbm>> -> memref<1x4096x128xf32, #tpu.memory_space<hbm>>
      %dma_wait3A_292 = tpu.memref_squeeze %dma_wait3A_291 : memref<1x4096x128xf32, #tpu.memory_space<hbm>> -> memref<4096x128xf32, #tpu.memory_space<hbm>>
      %dma_wait3A_293 = arith.constant 0 : i32
      %dma_wait3A_294 = tpu.memref_slice %dma_wait3A_292[%mul3A_2, %dma_wait3A_293] : memref<4096x128xf32, #tpu.memory_space<hbm>> -> memref<128x128xf32, #tpu.memory_space<hbm>>
      %dma_wait3A_295 = arith.constant 0 : i32
      %dma_wait3A_296 = arith.constant 0 : i32
      %dma_wait3A_297 = tpu.memref_slice %arg5[%add3A_288, %dma_wait3A_295, %dma_wait3A_296] : memref<50x4096x128xf32, #tpu.memory_space<hbm>> -> memref<1x4096x128xf32, #tpu.memory_space<hbm>>
      %dma_wait3A_298 = tpu.memref_squeeze %dma_wait3A_297 : memref<1x4096x128xf32, #tpu.memory_space<hbm>> -> memref<4096x128xf32, #tpu.memory_space<hbm>>
      %dma_wait3A_299 = arith.constant 0 : i32
      %dma_wait3A_300 = tpu.memref_slice %dma_wait3A_298[%mul3A_2, %dma_wait3A_299] : memref<4096x128xf32, #tpu.memory_space<hbm>> -> memref<128x128xf32, #tpu.memory_space<hbm>>
      tpu.wait_dma2 semaphore(%arg24 : memref<!tpu.dma_semaphore, #tpu.memory_space<semaphore_mem>>) src(%arg10 : memref<128x128xf32, #tpu.memory_space<vmem>>) dst(%dma_wait3A_300 : memref<128x128xf32, #tpu.memory_space<hbm>>)
      %add3A_301 = arith.constant 6 : i32
      %add3A_302 = arith.addi %add3A_288, %add3A_301 : i32
      %lt3A_303 = arith.constant 49 : i32
      %lt3A_304 = arith.cmpi slt, %add3A_302, %lt3A_303 : i32
      %convert_element_type3A_305 = arith.extui %lt3A_304 : i1 to i32
      %cond3A_306 = arith.constant 0 : i32
      %cond3A_307 = arith.cmpi ne, %convert_element_type3A_305, %cond3A_306 : i32
      scf.if %cond3A_307 {
        %add3A_354 = arith.constant 6 : i32
        %add3A_355 = arith.addi %add3A_288, %add3A_354 : i32
        %add3A_356 = arith.constant 1 : i32
        %add3A_357 = arith.addi %add3A_355, %add3A_356 : i32
        %dma_start3A_358 = arith.constant 0 : i32
        %dma_start3A_359 = tpu.memref_slice %arg6[%add3A_357, %dma_start3A_358] : memref<50x128xi32, #tpu.memory_space<vmem>> -> memref<1x128xi32, #tpu.memory_space<vmem>>
        %dma_start3A_360 = tpu.memref_squeeze %dma_start3A_359 : memref<1x128xi32, #tpu.memory_space<vmem>> -> memref<128xi32, #tpu.memory_space<vmem>>
        %dma_start3A_361 = arith.constant 0 : i32
        %dma_start3A_362 = arith.constant 0 : i32
        %dma_start3A_363 = tpu.memref_slice %arg3[%dma_start3A_361, %dma_start3A_362] : memref<100000x128xf32, #tpu.memory_space<hbm>> -> memref<100000x128xf32, #tpu.memory_space<hbm>>
        tpu.enqueue_indirect_dma source(%dma_start3A_363 : memref<100000x128xf32, #tpu.memory_space<hbm>>) target(%arg10 : memref<128x128xf32, #tpu.memory_space<vmem>>) offsets(%dma_start3A_360 : memref<128xi32, #tpu.memory_space<vmem>>) semaphore(%arg17 : memref<!tpu.dma_semaphore, #tpu.memory_space<semaphore_mem>>)
      } else {
      }
      %mul3A_308 = arith.constant 6 : i32
      %mul3A_309 = arith.muli %scan3A_80, %mul3A_308 : i32
      %add3A_310 = arith.constant 4 : i32
      %add3A_311 = arith.addi %mul3A_309, %add3A_310 : i32
      %dma_wait3A_312 = arith.constant 0 : i32
      %dma_wait3A_313 = arith.constant 0 : i32
      %dma_wait3A_314 = tpu.memref_slice %arg5[%add3A_311, %dma_wait3A_312, %dma_wait3A_313] : memref<50x4096x128xf32, #tpu.memory_space<hbm>> -> memref<1x4096x128xf32, #tpu.memory_space<hbm>>
      %dma_wait3A_315 = tpu.memref_squeeze %dma_wait3A_314 : memref<1x4096x128xf32, #tpu.memory_space<hbm>> -> memref<4096x128xf32, #tpu.memory_space<hbm>>
      %dma_wait3A_316 = arith.constant 0 : i32
      %dma_wait3A_317 = tpu.memref_slice %dma_wait3A_315[%mul3A_2, %dma_wait3A_316] : memref<4096x128xf32, #tpu.memory_space<hbm>> -> memref<128x128xf32, #tpu.memory_space<hbm>>
      %dma_wait3A_318 = arith.constant 0 : i32
      %dma_wait3A_319 = arith.constant 0 : i32
      %dma_wait3A_320 = tpu.memref_slice %arg5[%add3A_311, %dma_wait3A_318, %dma_wait3A_319] : memref<50x4096x128xf32, #tpu.memory_space<hbm>> -> memref<1x4096x128xf32, #tpu.memory_space<hbm>>
      %dma_wait3A_321 = tpu.memref_squeeze %dma_wait3A_320 : memref<1x4096x128xf32, #tpu.memory_space<hbm>> -> memref<4096x128xf32, #tpu.memory_space<hbm>>
      %dma_wait3A_322 = arith.constant 0 : i32
      %dma_wait3A_323 = tpu.memref_slice %dma_wait3A_321[%mul3A_2, %dma_wait3A_322] : memref<4096x128xf32, #tpu.memory_space<hbm>> -> memref<128x128xf32, #tpu.memory_space<hbm>>
      tpu.wait_dma2 semaphore(%arg25 : memref<!tpu.dma_semaphore, #tpu.memory_space<semaphore_mem>>) src(%arg11 : memref<128x128xf32, #tpu.memory_space<vmem>>) dst(%dma_wait3A_323 : memref<128x128xf32, #tpu.memory_space<hbm>>)
      %add3A_324 = arith.constant 6 : i32
      %add3A_325 = arith.addi %add3A_311, %add3A_324 : i32
      %lt3A_326 = arith.constant 49 : i32
      %lt3A_327 = arith.cmpi slt, %add3A_325, %lt3A_326 : i32
      %convert_element_type3A_328 = arith.extui %lt3A_327 : i1 to i32
      %cond3A_329 = arith.constant 0 : i32
      %cond3A_330 = arith.cmpi ne, %convert_element_type3A_328, %cond3A_329 : i32
      scf.if %cond3A_330 {
        %add3A_354 = arith.constant 6 : i32
        %add3A_355 = arith.addi %add3A_311, %add3A_354 : i32
        %add3A_356 = arith.constant 1 : i32
        %add3A_357 = arith.addi %add3A_355, %add3A_356 : i32
        %dma_start3A_358 = arith.constant 0 : i32
        %dma_start3A_359 = tpu.memref_slice %arg6[%add3A_357, %dma_start3A_358] : memref<50x128xi32, #tpu.memory_space<vmem>> -> memref<1x128xi32, #tpu.memory_space<vmem>>
        %dma_start3A_360 = tpu.memref_squeeze %dma_start3A_359 : memref<1x128xi32, #tpu.memory_space<vmem>> -> memref<128xi32, #tpu.memory_space<vmem>>
        %dma_start3A_361 = arith.constant 0 : i32
        %dma_start3A_362 = arith.constant 0 : i32
        %dma_start3A_363 = tpu.memref_slice %arg3[%dma_start3A_361, %dma_start3A_362] : memref<100000x128xf32, #tpu.memory_space<hbm>> -> memref<100000x128xf32, #tpu.memory_space<hbm>>
        tpu.enqueue_indirect_dma source(%dma_start3A_363 : memref<100000x128xf32, #tpu.memory_space<hbm>>) target(%arg11 : memref<128x128xf32, #tpu.memory_space<vmem>>) offsets(%dma_start3A_360 : memref<128xi32, #tpu.memory_space<vmem>>) semaphore(%arg18 : memref<!tpu.dma_semaphore, #tpu.memory_space<semaphore_mem>>)
      } else {
      }
      %mul3A_331 = arith.constant 6 : i32
      %mul3A_332 = arith.muli %scan3A_80, %mul3A_331 : i32
      %add3A_333 = arith.constant 5 : i32
      %add3A_334 = arith.addi %mul3A_332, %add3A_333 : i32
      %dma_wait3A_335 = arith.constant 0 : i32
      %dma_wait3A_336 = arith.constant 0 : i32
      %dma_wait3A_337 = tpu.memref_slice %arg5[%add3A_334, %dma_wait3A_335, %dma_wait3A_336] : memref<50x4096x128xf32, #tpu.memory_space<hbm>> -> memref<1x4096x128xf32, #tpu.memory_space<hbm>>
      %dma_wait3A_338 = tpu.memref_squeeze %dma_wait3A_337 : memref<1x4096x128xf32, #tpu.memory_space<hbm>> -> memref<4096x128xf32, #tpu.memory_space<hbm>>
      %dma_wait3A_339 = arith.constant 0 : i32
      %dma_wait3A_340 = tpu.memref_slice %dma_wait3A_338[%mul3A_2, %dma_wait3A_339] : memref<4096x128xf32, #tpu.memory_space<hbm>> -> memref<128x128xf32, #tpu.memory_space<hbm>>
      %dma_wait3A_341 = arith.constant 0 : i32
      %dma_wait3A_342 = arith.constant 0 : i32
      %dma_wait3A_343 = tpu.memref_slice %arg5[%add3A_334, %dma_wait3A_341, %dma_wait3A_342] : memref<50x4096x128xf32, #tpu.memory_space<hbm>> -> memref<1x4096x128xf32, #tpu.memory_space<hbm>>
      %dma_wait3A_344 = tpu.memref_squeeze %dma_wait3A_343 : memref<1x4096x128xf32, #tpu.memory_space<hbm>> -> memref<4096x128xf32, #tpu.memory_space<hbm>>
      %dma_wait3A_345 = arith.constant 0 : i32
      %dma_wait3A_346 = tpu.memref_slice %dma_wait3A_344[%mul3A_2, %dma_wait3A_345] : memref<4096x128xf32, #tpu.memory_space<hbm>> -> memref<128x128xf32, #tpu.memory_space<hbm>>
      tpu.wait_dma2 semaphore(%arg26 : memref<!tpu.dma_semaphore, #tpu.memory_space<semaphore_mem>>) src(%arg12 : memref<128x128xf32, #tpu.memory_space<vmem>>) dst(%dma_wait3A_346 : memref<128x128xf32, #tpu.memory_space<hbm>>)
      %add3A_347 = arith.constant 6 : i32
      %add3A_348 = arith.addi %add3A_334, %add3A_347 : i32
      %lt3A_349 = arith.constant 49 : i32
      %lt3A_350 = arith.cmpi slt, %add3A_348, %lt3A_349 : i32
      %convert_element_type3A_351 = arith.extui %lt3A_350 : i1 to i32
      %cond3A_352 = arith.constant 0 : i32
      %cond3A_353 = arith.cmpi ne, %convert_element_type3A_351, %cond3A_352 : i32
      scf.if %cond3A_353 {
        %add3A_354 = arith.constant 6 : i32
        %add3A_355 = arith.addi %add3A_334, %add3A_354 : i32
        %add3A_356 = arith.constant 1 : i32
        %add3A_357 = arith.addi %add3A_355, %add3A_356 : i32
        %dma_start3A_358 = arith.constant 0 : i32
        %dma_start3A_359 = tpu.memref_slice %arg6[%add3A_357, %dma_start3A_358] : memref<50x128xi32, #tpu.memory_space<vmem>> -> memref<1x128xi32, #tpu.memory_space<vmem>>
        %dma_start3A_360 = tpu.memref_squeeze %dma_start3A_359 : memref<1x128xi32, #tpu.memory_space<vmem>> -> memref<128xi32, #tpu.memory_space<vmem>>
        %dma_start3A_361 = arith.constant 0 : i32
        %dma_start3A_362 = arith.constant 0 : i32
        %dma_start3A_363 = tpu.memref_slice %arg3[%dma_start3A_361, %dma_start3A_362] : memref<100000x128xf32, #tpu.memory_space<hbm>> -> memref<100000x128xf32, #tpu.memory_space<hbm>>
        tpu.enqueue_indirect_dma source(%dma_start3A_363 : memref<100000x128xf32, #tpu.memory_space<hbm>>) target(%arg12 : memref<128x128xf32, #tpu.memory_space<vmem>>) offsets(%dma_start3A_360 : memref<128xi32, #tpu.memory_space<vmem>>) semaphore(%arg19 : memref<!tpu.dma_semaphore, #tpu.memory_space<semaphore_mem>>)
      } else {
      }
    }
    %scan3A_60 = arith.constant 8 : i32
    %dma_wait3A = arith.constant 0 : i32
    %dma_wait3A_61 = arith.constant 0 : i32
    %dma_wait3A_62 = tpu.memref_slice %arg6[%dma_wait3A, %dma_wait3A_61] : memref<50x128xi32, #tpu.memory_space<vmem>> -> memref<1x128xi32, #tpu.memory_space<vmem>>
    %dma_wait3A_63 = tpu.memref_squeeze %dma_wait3A_62 : memref<1x128xi32, #tpu.memory_space<vmem>> -> memref<128xi32, #tpu.memory_space<vmem>>
    %dma_wait3A_64 = arith.constant 0 : i32
    %dma_wait3A_65 = arith.constant 0 : i32
    %dma_wait3A_66 = tpu.memref_slice %arg3[%dma_wait3A_64, %dma_wait3A_65] : memref<100000x128xf32, #tpu.memory_space<hbm>> -> memref<100000x128xf32, #tpu.memory_space<hbm>>
    tpu.wait_indirect_dma semaphore(%arg14 : memref<!tpu.dma_semaphore, #tpu.memory_space<semaphore_mem>>) src(%dma_wait3A_66 : memref<100000x128xf32, #tpu.memory_space<hbm>>) dst(%arg7 : memref<128x128xf32, #tpu.memory_space<vmem>>)
    %run_scoped3A = arith.constant 48 : i32
    "tpu.region"() ({
      %run_scoped3A_80 = tpu.sem_alloc : memref<!tpu.dma_semaphore, #tpu.memory_space<semaphore_mem>>
      %dma_start3A_81 = arith.constant 0 : i32
      %dma_start3A_82 = arith.constant 0 : i32
      %dma_start3A_83 = tpu.memref_slice %arg5[%run_scoped3A, %dma_start3A_81, %dma_start3A_82] : memref<50x4096x128xf32, #tpu.memory_space<hbm>> -> memref<1x4096x128xf32, #tpu.memory_space<hbm>>
      %dma_start3A_84 = tpu.memref_squeeze %dma_start3A_83 : memref<1x4096x128xf32, #tpu.memory_space<hbm>> -> memref<4096x128xf32, #tpu.memory_space<hbm>>
      %dma_start3A_85 = arith.constant 0 : i32
      %dma_start3A_86 = tpu.memref_slice %dma_start3A_84[%mul3A_2, %dma_start3A_85] : memref<4096x128xf32, #tpu.memory_space<hbm>> -> memref<128x128xf32, #tpu.memory_space<hbm>>
      %dma_start3A_87 = arith.constant 0 : i32
      %dma_start3A_88 = arith.constant 0 : i32
      %dma_start3A_89 = tpu.memref_slice %arg5[%run_scoped3A, %dma_start3A_87, %dma_start3A_88] : memref<50x4096x128xf32, #tpu.memory_space<hbm>> -> memref<1x4096x128xf32, #tpu.memory_space<hbm>>
      %dma_start3A_90 = tpu.memref_squeeze %dma_start3A_89 : memref<1x4096x128xf32, #tpu.memory_space<hbm>> -> memref<4096x128xf32, #tpu.memory_space<hbm>>
      %dma_start3A_91 = arith.constant 0 : i32
      %dma_start3A_92 = tpu.memref_slice %dma_start3A_90[%mul3A_2, %dma_start3A_91] : memref<4096x128xf32, #tpu.memory_space<hbm>> -> memref<128x128xf32, #tpu.memory_space<hbm>>
      tpu.enqueue_dma source(%arg7 : memref<128x128xf32, #tpu.memory_space<vmem>>) target(%dma_start3A_92 : memref<128x128xf32, #tpu.memory_space<hbm>>) target_semaphore(%run_scoped3A_80 : memref<!tpu.dma_semaphore, #tpu.memory_space<semaphore_mem>>)
      %dma_wait3A_93 = arith.constant 0 : i32
      %dma_wait3A_94 = arith.constant 0 : i32
      %dma_wait3A_95 = tpu.memref_slice %arg5[%run_scoped3A, %dma_wait3A_93, %dma_wait3A_94] : memref<50x4096x128xf32, #tpu.memory_space<hbm>> -> memref<1x4096x128xf32, #tpu.memory_space<hbm>>
      %dma_wait3A_96 = tpu.memref_squeeze %dma_wait3A_95 : memref<1x4096x128xf32, #tpu.memory_space<hbm>> -> memref<4096x128xf32, #tpu.memory_space<hbm>>
      %dma_wait3A_97 = arith.constant 0 : i32
      %dma_wait3A_98 = tpu.memref_slice %dma_wait3A_96[%mul3A_2, %dma_wait3A_97] : memref<4096x128xf32, #tpu.memory_space<hbm>> -> memref<128x128xf32, #tpu.memory_space<hbm>>
      %dma_wait3A_99 = arith.constant 0 : i32
      %dma_wait3A_100 = arith.constant 0 : i32
      %dma_wait3A_101 = tpu.memref_slice %arg5[%run_scoped3A, %dma_wait3A_99, %dma_wait3A_100] : memref<50x4096x128xf32, #tpu.memory_space<hbm>> -> memref<1x4096x128xf32, #tpu.memory_space<hbm>>
      %dma_wait3A_102 = tpu.memref_squeeze %dma_wait3A_101 : memref<1x4096x128xf32, #tpu.memory_space<hbm>> -> memref<4096x128xf32, #tpu.memory_space<hbm>>
      %dma_wait3A_103 = arith.constant 0 : i32
      %dma_wait3A_104 = tpu.memref_slice %dma_wait3A_102[%mul3A_2, %dma_wait3A_103] : memref<4096x128xf32, #tpu.memory_space<hbm>> -> memref<128x128xf32, #tpu.memory_space<hbm>>
      tpu.wait_dma2 semaphore(%run_scoped3A_80 : memref<!tpu.dma_semaphore, #tpu.memory_space<semaphore_mem>>) src(%arg7 : memref<128x128xf32, #tpu.memory_space<vmem>>) dst(%dma_wait3A_104 : memref<128x128xf32, #tpu.memory_space<hbm>>)
      tpu.yield
    }) : () -> ()
    %dma_wait3A_67 = arith.constant 49 : i32
    %dma_wait3A_68 = arith.constant 0 : i32
    %dma_wait3A_69 = arith.constant 0 : i32
    %dma_wait3A_70 = tpu.memref_slice %arg5[%dma_wait3A_67, %dma_wait3A_68, %dma_wait3A_69] : memref<50x4096x128xf32, #tpu.memory_space<hbm>> -> memref<1x4096x128xf32, #tpu.memory_space<hbm>>
    %dma_wait3A_71 = tpu.memref_squeeze %dma_wait3A_70 : memref<1x4096x128xf32, #tpu.memory_space<hbm>> -> memref<4096x128xf32, #tpu.memory_space<hbm>>
    %dma_wait3A_72 = arith.constant 0 : i32
    %dma_wait3A_73 = tpu.memref_slice %dma_wait3A_71[%mul3A_2, %dma_wait3A_72] : memref<4096x128xf32, #tpu.memory_space<hbm>> -> memref<128x128xf32, #tpu.memory_space<hbm>>
    %dma_wait3A_74 = arith.constant 0 : i32
    %dma_wait3A_75 = arith.constant 0 : i32
    %dma_wait3A_76 = tpu.memref_slice %arg5[%dma_wait3A_67, %dma_wait3A_74, %dma_wait3A_75] : memref<50x4096x128xf32, #tpu.memory_space<hbm>> -> memref<1x4096x128xf32, #tpu.memory_space<hbm>>
    %dma_wait3A_77 = tpu.memref_squeeze %dma_wait3A_76 : memref<1x4096x128xf32, #tpu.memory_space<hbm>> -> memref<4096x128xf32, #tpu.memory_space<hbm>>
    %dma_wait3A_78 = arith.constant 0 : i32
    %dma_wait3A_79 = tpu.memref_slice %dma_wait3A_77[%mul3A_2, %dma_wait3A_78] : memref<4096x128xf32, #tpu.memory_space<hbm>> -> memref<128x128xf32, #tpu.memory_space<hbm>>
    tpu.wait_dma2 semaphore(%arg20 : memref<!tpu.dma_semaphore, #tpu.memory_space<semaphore_mem>>) src(%arg13 : memref<128x128xf32, #tpu.memory_space<vmem>>) dst(%dma_wait3A_79 : memref<128x128xf32, #tpu.memory_space<hbm>>)
    return
  }
}

</mosaic_0001>

<sc_bundles>
// kernel: _shifted_embed.3.cloned.1.call-start
scs
__scs_entry_jumppad:
0x0: {  	(pc) =	sbr.rel $0x88, $3  }
0x1: {  	(tag) =	ssettag $0x0;
	lr =	simm.s32 $0x1  }
0x2: {  	[smem:$0x3F9F] =	sst lr;
	_ =	strace $0xD0000000  }
0x3: {  	_ = 	snop  }
0x4: {  	_ = 	snop  }
0x5: {  	_ = 	snop  }
0x6: {  	_ = 	snop  }
0x7: {  	_ = 	snop  }
__scs_overlays_trampoline_lowered:
0x8: {  	[smem:$0x3FAE] =	sst s0  }
0x9: {  	[smem:$0x3FAF] =	sst s1  }
0xa: {  	[smem:$0x3FB0] =	sst s2  }
0xb: {  	[smem:$0x3FB1] =	sst s3  }
0xc: {  	[smem:$0x3FB2] =	sst s4  }
0xd: {  	[smem:$0x3FB3] =	sst s5  }
0xe: {  	[smem:$0x3FB4] =	sst s6  }
0xf: {  	[smem:$0x3FB5] =	sst s7  }
0x10: {  	[smem:$0x3FB6] =	sst s8  }
0x11: {  	[smem:$0x3FB7] =	sst s9;
	s0 =	simm.s32 @!p0 $0x0  }
0x12: {  	s1 =	sld [smem:$0x3F9D];
	s0 =	simm.s32 @p0 $0x1  }
0x13: {  	[smem:$0x3FB8] =	sst s0;
	s0 =	simm.s32 @!p1 $0x0  }
0x14: {  	s2 =	sld [smem:$0x3F9C];
	s0 =	simm.s32 @p1 $0x1  }
0x15: {  	[smem:$0x3FB9] =	sst s0;
	s0 =	simm.s32 @!p2 $0x0  }
0x16: {  	s3 =	sld [smem:$0x3FDB];
	s0 =	simm.s32 @p2 $0x1  }
0x17: {  	s4 =	simm.s32 $0x1BF5;
	[smem:$0x3FBB] =	sst s0  }
0x18: {  	s0 =	sld [smem:$0x3F9E];
	_ =	swait.ge [sflag:s4], $0x0  }
0x19: {  	s7 =	sld [smem:$0x3F9F]  }
0x1a: {  	s8 =	sadd.s32 $0xFFFFE003, lr  }
0x1b: {  	s9 =	sadd.s32 $0xFFFFFEF7, lr;
	s5 =	simm.s32 $0xFFFFFFFF;
	p2 =	slt.u32 s8, $0xFFFFF086  }
0x1c: {  	p1 =	slt.u32 s9, $0xF7A;
	s5 =	simm.s32 @!p2 $0x0  }
0x1d: {  	s5 =	simm.s32 @p1 $0x1;
	p0 =	seq.s32 s7, s2  }
0x1e: {  	s7 =	smul.u32 @!p0 $0xF7A, s2;
	p2 =	seq.s32 @!p0 s5, $0x0  }
0x1f: {  	s9 =	smul.u32 $0xF7A, s1;
	s8 =	simm.s32 @!p0 $0x1BF5;
	p2 =	por !p2, p0  }
0x20: {  	[sflag:s8] =	ssyncset.s32 @!p0 $0xFFFFF086;
	s6 =	sadd.s32 @!p0 s3, s7;
	s7 =	simm.s32 @!p0 $0x108  }
0x21: {  	s3 =	sadd.s32 s3, s9;
	s6 =	sadd.s32 @!p0 $0x88, s6;
	s7 =	simm.s32 @p2 $0x1082  }
0x22: {  	[simem:s7], [sflag:s8] =	dma.local @!p0 [hbm:s6], $0xF7A  }
0x23: {  	s9 =	sor.u32 $0xD0000000, s2;
	s6 =	simm.s32 $0x108;
	_ =	swait.ge @!p0 [sflag:s8], $0x0  }
0x24: {  	s3 =	sadd.s32 $0x88, s3;
	s6 =	simm.s32 @!p1 $0x1082;
	[sflag:s4] =	ssyncset.s32 $0xFFFFF086  }
0x25: {  	[simem:s6], [sflag:s4] =	dma.local [hbm:s3], $0xF7A  }
0x26: {  	[smem:$0x3F9F] =	sst s1;
	(tag) =	ssettag s2;
	_ =	strace s9  }
0x27: {  	s1 =	sld [smem:$0x3FAF]  }
0x28: {  	s2 =	sld [smem:$0x3FB0]  }
0x29: {  	s4 =	sld [smem:$0x3FB2]  }
0x2a: {  	p0 =	seq.s32 s5, $0x0;
	s5 =	sld [smem:$0x3FB3]  }
0x2b: {  	s6 =	sld [smem:$0x3FB4]  }
0x2c: {  	s7 =	sld [smem:$0x3FB5]  }
0x2d: {  	s3 =	simm.s32 $0x108;
	s8 =	sld [smem:$0x3FB6]  }
0x2e: {  	s3 =	simm.s32 @!p0 $0x1082;
	s9 =	sld [smem:$0x3FB7]  }
0x2f: {  	lr =	sadd.s32 s0, s3;
	s0 =	sld [smem:$0x3FAE]  }
0x30: {  	s3 =	sld [smem:$0x3FB1]  }
0x31: {  	[smem:$0x3FBA] =	sst s10  }
0x32: {  	s10 =	sld [smem:$0x3FB8];
	_ =	sdelay $0x3  }
0x33: {  	p0 =	seq.s32 s10, $0x1;
	s10 =	sld [smem:$0x3FBA];
	_ =	sdelay $0x3  }
0x34: {  	[smem:$0x3FBA] =	sst s10  }
0x35: {  	s10 =	sld [smem:$0x3FB9];
	_ =	sdelay $0x3  }
0x36: {  	p1 =	seq.s32 s10, $0x1;
	s10 =	sld [smem:$0x3FBA];
	_ =	sdelay $0x3  }
0x37: {  	[smem:$0x3FBA] =	sst s10  }
0x38: {  	s10 =	sld [smem:$0x3FBB]  }
0x39: {  	_ = 	snop;
	(pc) =	sbr.ind lr, $3  }
0x3a: {  	_ = 	snop  }
0x3b: {  	_ = 	snop  }
0x3c: {  	p2 =	seq.s32 s10, $0x1;
	s10 =	sld [smem:$0x3FBA]  }
0x3d: {  	_ =	shalt  }
0x3e: {  	_ =	shalt  }
0x3f: {  	_ =	shalt  }
0x40: {  	_ =	shalt  }
0x41: {  	_ =	shalt  }
0x42: {  	_ =	shalt  }
0x43: {  	_ =	shalt  }
0x44: {  	_ =	shalt  }
0x45: {  	_ =	shalt  }
0x46: {  	_ =	shalt  }
0x47: {  	_ =	shalt  }
0x48: {  	_ =	shalt  }
0x49: {  	_ =	shalt  }
0x4a: {  	_ =	shalt  }
0x4b: {  	_ =	shalt  }
0x4c: {  	_ =	shalt  }
0x4d: {  	_ =	shalt  }
0x4e: {  	_ =	shalt  }
0x4f: {  	_ =	shalt  }
0x50: {  	_ =	shalt  }
0x51: {  	_ =	shalt  }
0x52: {  	_ =	shalt  }
0x53: {  	_ =	shalt  }
0x54: {  	_ =	shalt  }
0x55: {  	_ =	shalt  }
0x56: {  	_ =	shalt  }
0x57: {  	_ =	shalt  }
0x58: {  	_ =	shalt  }
0x59: {  	_ =	shalt  }
0x5a: {  	_ =	shalt  }
0x5b: {  	_ =	shalt  }
0x5c: {  	_ =	shalt  }
0x5d: {  	_ =	shalt  }
0x5e: {  	_ =	shalt  }
0x5f: {  	_ =	shalt  }
0x60: {  	_ =	shalt  }
0x61: {  	_ =	shalt  }
0x62: {  	_ =	shalt  }
0x63: {  	_ =	shalt  }
0x64: {  	_ =	shalt  }
0x65: {  	_ =	shalt  }
0x66: {  	_ =	shalt  }
0x67: {  	_ =	shalt  }
0x68: {  	_ =	shalt  }
0x69: {  	_ =	shalt  }
0x6a: {  	_ =	shalt  }
0x6b: {  	_ =	shalt  }
0x6c: {  	_ =	shalt  }
0x6d: {  	_ =	shalt  }
0x6e: {  	_ =	shalt  }
0x6f: {  	_ =	shalt  }
0x70: {  	_ =	shalt  }
0x71: {  	_ =	shalt  }
0x72: {  	_ =	shalt  }
0x73: {  	_ =	shalt  }
0x74: {  	_ =	shalt  }
0x75: {  	_ =	shalt  }
0x76: {  	_ =	shalt  }
0x77: {  	_ =	shalt  }
0x78: {  	_ =	shalt  }
0x79: {  	_ =	shalt  }
0x7a: {  	_ =	shalt  }
0x7b: {  	_ =	shalt  }
0x7c: {  	_ =	shalt  }
0x7d: {  	_ =	shalt  }
0x7e: {  	_ =	shalt  }
0x7f: {  	_ =	shalt  }
0x80: {  	_ =	shalt  }
0x81: {  	_ =	shalt  }
0x82: {  	_ =	shalt  }
0x83: {  	_ =	shalt  }
0x84: {  	_ =	shalt  }
0x85: {  	_ =	shalt  }
0x86: {  	_ =	shalt  }
0x87: {  	_ =	shalt  }
.Lfunc_end0:
.L_simem_size_0:
called_computation_lowered:
.L_overlay_start_0:
0x88: {  	s2 =	sld [smem:$0x3FD9]  }
0x89: {  	s3 =	sld [smem:$0x3FFE];
	_ =	sdelay $0x1  }
0x8a: {  	s1 =	srdreg.scid  }
0x8b: {  	s0 =	sand.u32 $0x1, s1  }
0x8c: {  	s17 =	sshll.u32 s0, $0xA;
	s2 =	sadd.s32 s3, s2  }
0x8d: {  	s2 =	sadd.s32 s2, s17  }
0x8e: {  	[smem:$0x3FC6] =	sst s2  }
0x8f: {  	_ = 	snop  }
0x90: {  	s2 =	sld [smem:$0x3FC9]  }
0x91: {  	s18 =	sld [smem:$0x3FC8]  }
0x92: {  	s4 =	sld [smem:$0x3FD0];
	(tm) =	ssettm $0x1  }
0x93: {  	s5 =	sld [smem:$0x3FFB];
	_ =	sdelay $0x3  }
0x94: {  	_ =	strace s5  }
0x95: {  	s5 =	sld [smem:$0x3FFC];
	_ =	sdelay $0x3  }
0x96: {  	_ =	strace s5  }
0x97: {  	s5 =	sld [smem:$0x3FFD];
	_ =	sdelay $0x3  }
0x98: {  	_ =	strace s5  }
0x99: {  	_ =	strace $0x8FFFFFFF  }
0x9a: {  	s19 =	sld [smem:$0x3FDB];
	_ =	sdelay $0x1  }
0x9b: {  	s6 =	simm.s32 $_scs_section_size  }
0x9c: {  	s7 =	simm.s32 $_size__tile_overlayer_lowered;
	s8 =	simm.s32 $_tile_overlayer_lowered  }
0x9d: {  	s22 =	simm.s32 $0x1BFF;
	s21 =	sshll.u32 s8, $0x1;
	s5 =	sadd.s32 s6, s19  }
0x9e: {  	s9 =	simm.s32 $0x0;
	s20 =	sshll.u32 s7, $0x1;
	s7 =	sadd.s32 s21, s5  }
0x9f: {  	[timem:s9], [sflag:s22] =	dma.local [hbm:s7], s20  }
0xa0: {  	_ =	swait.ge [sflag:s22], s20  }
0xa1: {  	s6 =	ssub.s32 $0x0, s20;
	[sflag:s22] =	ssyncset.done $0x0  }
0xa2: {  	[sflag:s22] =	ssyncadd.s32 s6;
	_ =	sdelay $0x1  }
0xa3: {  	s23 =	simm.s32 $0x1B8B  }
0xa4: {  	_ =	swait.ge [sflag:s23], $0x1  }
0xa5: {  	[sflag:s23] =	ssyncset.done $0x0  }
0xa6: {  	s25 =	simm.s32 $0x1B8E;
	s24 =	sld [smem:$0x3FFE];
	[sflag:s23] =	ssyncadd.s32 $0xFFFFFFFF  }
0xa7: {  	s26 =	simm.s32 $execute0_lowered;
	[smem:$0x3FD2] =	sst s25  }
0xa8: {  	s7 =	sshll.u32 s26, $0x1;
	_ =	strace $0x80000046;
	[dreg:$0x1] =	wrdreg $0xFFFFFFFF  }
0xa9: {  	s28 =	simm.s32 $_size_execute0_lowered;
	s5 =	sadd.s32 s5, s7;
	[dreg:$0x0] =	wrdreg $0x0  }
0xaa: {  	s7 =	sshll.u32 s28, $0x1;
	[dreg:$0x2] =	wrdreg s5  }
0xab: {  	[dreg:$0x3] =	wrdreg s7  }
0xac: {  	[dreg:$0x4] =	wrdreg $0xC0  }
0xad: {  	_ =	task [dreg:s9], $0x5FFFF  }
0xae: {  	[dreg:$0x1] =	wrdreg $0xFFFFFFFF  }
0xaf: {  	[dreg:$0x0] =	wrdreg $0x60  }
0xb0: {  	[dreg:$0x2] =	wrdreg s2  }
0xb1: {  	[dreg:$0x3] =	wrdreg s18  }
0xb2: {  	[dreg:$0x4] =	wrdreg s24  }
0xb3: {  	[dreg:$0x5] =	wrdreg s4  }
0xb4: {  	[dreg:$0x6] =	wrdreg $0x9  }
0xb5: {  	_ =	task.clear_ibuf [dreg:s9], $0x7FFFF;
	_ =	strace $0x90000046  }
0xb6: {  	s29 =	simm.s32 $0x9;
	_ =	strace $0x80000048  }
0xb7: {  	_ =	swait.ge [sflag:s29], $0x1  }
0xb8: {  	[sflag:s29] =	ssyncadd.s32 $0xFFFFFFFF  }
0xb9: {  	_ =	strace $0x90000048  }
0xba: {  	_ =	sfence  }
0xbb: {  	s30 =	sld [smem:$0x0];
	_ =	sdelay $0x2  }
0xbc: {  	s31 =	sshll.u32 s1, $0xD;
	s1 =	sshrl.u32 s1, $0x2  }
0xbd: {  	s3 =	sand.u32 $0x4000, s31;
	s1 =	sadd.s32 s1, s30  }
0xbe: {  	s0 =	sor.u32 s3, s0;
	s1 =	sshll.u32 s1, $0x11  }
0xbf: {  	s0 =	sor.u32 s1, s0  }
0xc0: {  	s0 =	sadd.s32 $0x8F2B, s0  }
0xc1: {  	[sflag:s0] =	ssyncadd.remote.s32 $0x1  }
0xc2: {  	_ =	sfence.sel $0xFFFF  }
0xc3: {  	[dreg:$0x0] =	wrdreg $0xFFFFFFFF;
	(pc) =	sbr.abs _section_cstart, $3  }
0xc4: {  	[dreg:$0x1] =	wrdreg $0xFFFFFFFF  }
0xc5: {  	_ =	task.clear_ibuf [dreg:s9], $0x2FFFF;
	_ =	strace $0x9FFFFFFF  }
0xc6: {  	(tm) =	ssettm $0x7FFFFFFF  }
0xc7: {  	_ =	shalt  }
tec
execute0_lowered:
.L_overlay_start_1:
0x0: {  	(tag) =	ssettag $0x1  }
0x1: {  	s0 =	rddreg [dreg:$0x0]  }
0x2: {  	s1 =	rddreg [dreg:$0x1]  }
0x3: {  	s2 =	rddreg [dreg:$0x2]  }
0x4: {  	s4 =	rddreg [dreg:$0x3]  }
0x5: {  	s3 =	simm.s32 $0x0;
	s5 =	srdreg.scid;
	s7 =	stileid.u32  }
0x6: {  	s10 =	simm.s32 $0xE;
	s11 =	simm.s32 $0x80;
	s12 =	simm.s32 $0x1C00  }
0x7: {  	s14 =	simm.s32 $0x5C00;
	s16 =	simm.s32 $0x9C00;
	s18 =	simm.s32 $0xDC00  }
0x8: {  	s20 =	simm.s32 $0x11C00;
	s30 =	simm.s32 $0x7;
	s31 =	simm.s32 $0x1  }
0x9: {  	s13 =	simm.s32 $0x4;
	s15 =	simm.s32 $0x5;
	s17 =	simm.s32 $0x6  }
0xa: {  	s19 =	simm.s32 $0x8;
	s21 =	simm.s32 $0x9;
	s28 =	simm.s32 $0xB  }
0xb: {  	s29 =	simm.s32 $0xC;
	[smem:$0x7FF] =	sst s3;
	s5 =	sand.u32 $0x1, s5  }
0xc: {  	s7 =	sshll.u32 s7, $0x8;
	s2 =	sadd.s32 $0x400, s2;
	s24 =	sadd.s32 $0x310000, s4  }
0xd: {  	s8 =	sadd.s32 $0x300000, s4;
	s25 =	sadd.s32 $0x50000, s4;
	s4 =	simm.s32 $0xD  }
0xe: {  	_ =	strace $0x80000047;
	s6 =	ssub.s32 $0x2, s5;
	s5 =	sshll.u32 s5, $0x7  }
0xf: {  	[dreg:$0x5] =	wrdreg s2;
	s22 =	sshrl.u32 s6, $0x1;
	s5 =	sor.u32 s5, s7  }
0x10: {  	[dreg:$0x8] =	wrdreg s25;
	s2 =	ssub.s32 s6, s22;
	s23 =	sadd.s32 s0, s5  }
.Ltmp0:
0x11: {  	s0 =	sadd.s32 $0x1000, s0;
	s6 =	sshll.u32 s5, $0x4;
	(pc) =	sbr.rel .LBB2_1-.Ltmp0, $4  }
0x12: {  	[dreg:$0x6] =	wrdreg s23;
	s2 =	smax.u32 s2, $0x1;
	s22 =	sadd.s32 s5, s0  }
0x13: {  	s23 =	simm.s32 $0x15C00;
	s26 =	sadd.s32 s6, s24;
	s25 =	sadd.s32 s6, s8  }
0x14: {  	s0 =	simm.s32 $0x2;
	s5 =	simm.s32 $0x0;
	[dreg:$0x7] =	wrdreg s2  }
0x15: {  	[dreg:$0x9] =	wrdreg s26;
	s2 =	simm.s32 $0x3;
	s26 =	simm.s32 $0xA  }
.LBB2_4:
0x16: {  	_ =	swait.ge [sflag:s26], $0x4000  }
0x17: {  	[sflag:s26] =	ssyncset.done $0x0  }
0x18: {  	[sflag:s26] =	ssyncadd.s32 $0xFFFFC000  }
0x19: {  	_ =	swait.ge [sflag:s28], $0x4000  }
0x1a: {  	[sflag:s28] =	ssyncset.done $0x0  }
0x1b: {  	[sflag:s28] =	ssyncadd.s32 $0xFFFFC000  }
0x1c: {  	_ =	swait.ge [sflag:s29], $0x4000  }
0x1d: {  	[sflag:s29] =	ssyncset.done $0x0  }
0x1e: {  	[sflag:s29] =	ssyncadd.s32 $0xFFFFC000  }
0x1f: {  	_ =	swait.ge [sflag:s4], $0x4000  }
0x20: {  	[sflag:s4] =	ssyncset.done $0x0  }
0x21: {  	[sflag:s4] =	ssyncadd.s32 $0xFFFFC000  }
0x22: {  	_ =	swait.ge [sflag:s31], $0x4000  }
0x23: {  	[sflag:s31] =	ssyncset.done $0x0  }
0x24: {  	[sflag:s31] =	ssyncadd.s32 $0xFFFFC000  }
0x25: {  	[hbm4b:s25+s3] =	stream.linear.scatter [tilespmem:s12], [sflag:$0xE], $0x4000, $0x38;
	[tilespmem:$0x1DC00] =	vst v63  }
0x26: {  	_ =	swait.ge [sflag:s10], $0x4000  }
0x27: {  	[sflag:s10] =	ssyncset.done $0x0  }
0x28: {  	[sflag:s10] =	ssyncadd.s32 $0xFFFFC000  }
0x29: {  	_ =	swait.ge [sflag:s30], $0x4000  }
0x2a: {  	s5 =	sadd.s32 $0x1, s5;
	s7 =	rddreg [dreg:$0x7]  }
0x2b: {  	p0 =	sne.s32 s5, s7  }
.Ltmp1:
0x2c: {  	_ = 	snop;
	(pc) =	sbr.rel @!p0 .LBB2_5-.Ltmp1, $3  }
0x2d: {  	_ =	sdelay $0x1  }
0x2e: {  	[sflag:s30] =	ssyncset.done $0x0  }
0x2f: {  	[sflag:s30] =	ssyncadd.s32 $0xFFFFC000  }
.LBB2_1:
0x30: {  	s7 =	rddreg [dreg:$0x5];
	s8 =	simm.s32 $0x19C00  }
0x31: {  	[tilespmem:s8], [sflag:$0x7] =	stream.linear.gather [hbm4b:s7+s3], $0x4000, $0x38;
	[tilespmem:$0x1DC00] =	vst v63  }
0x32: {  	s24 =	rddreg [dreg:$0x6]  }
0x33: {  	[tilespmem:s3], [sflag:$0xE] =	stream.linear.gather [hbm4b:s24+s3], $0x400, $0x38;
	[tilespmem:$0x1DC00] =	vst v63  }
0x34: {  	_ =	swait.ge [sflag:s10], $0x400  }
0x35: {  	[sflag:s10] =	ssyncset.done $0x0  }
0x36: {  	[sflag:s10] =	ssyncadd.s32 $0xFFFFFC00  }
0x37: {  	[tilespmem:s12], [sflag:$0x1] =	stream.indirect.gather [hbm4b:s1+s11], $0x80, s11, s11, $0xb8;
	[tilespmem:$0x1DC00] =	vst v63  }
0x38: {  	s9 =	simm.s32 $0x100  }
0x39: {  	[tilespmem:s14], [sflag:$0x2] =	stream.indirect.gather [hbm4b:s1+s11], $0x80, s9, s11, $0xb8;
	[tilespmem:$0x1DC00] =	vst v63  }
0x3a: {  	s24 =	simm.s32 $0x180  }
0x3b: {  	[tilespmem:s16], [sflag:$0x3] =	stream.indirect.gather [hbm4b:s1+s11], $0x80, s24, s11, $0xb8;
	[tilespmem:$0x1DC00] =	vst v63  }
0x3c: {  	s9 =	simm.s32 $0x200  }
0x3d: {  	[tilespmem:s18], [sflag:$0x4] =	stream.indirect.gather [hbm4b:s1+s11], $0x80, s9, s11, $0xb8;
	[tilespmem:$0x1DC00] =	vst v63  }
0x3e: {  	s24 =	simm.s32 $0x280  }
0x3f: {  	[tilespmem:s20], [sflag:$0x5] =	stream.indirect.gather [hbm4b:s1+s11], $0x80, s24, s11, $0xb8;
	[tilespmem:$0x1DC00] =	vst v63  }
0x40: {  	s9 =	simm.s32 $0x300  }
0x41: {  	[tilespmem:s23], [sflag:$0x6] =	stream.indirect.gather [hbm4b:s1+s11], $0x80, s9, s11, $0xb8;
	[tilespmem:$0x1DC00] =	vst v63  }
0x42: {  	s24 =	simm.s32 $0x8000;
	s9 =	simm.s32 $0x400  }
0x43: {  	[tilespmem:s9], [sflag:$0xE] =	stream.strided.gather [hbm4b:s22+s9], $0x1400, s24, s9, $0x38;
	[tilespmem:$0x1DC00] =	vst v63  }
0x44: {  	s9 =	sadd.s32 $0x5000, s22;
	s24 =	simm.s32 $0x1800  }
0x45: {  	[tilespmem:s24], [sflag:$0xE] =	stream.linear.gather [hbm4b:s9+s3], $0x100, $0x38;
	[tilespmem:$0x1DC00] =	vst v63  }
0x46: {  	_ =	swait.ge [sflag:s10], $0x1500  }
0x47: {  	[sflag:s10] =	ssyncset.done $0x0  }
0x48: {  	[sflag:s10] =	ssyncadd.s32 $0xFFFFEB00  }
0x49: {  	_ =	swait.ge [sflag:s30], $0x4000  }
0x4a: {  	[sflag:s30] =	ssyncset.done $0x0  }
0x4b: {  	s24 =	rddreg [dreg:$0x9];
	[sflag:s30] =	ssyncadd.s32 $0xFFFFC000  }
0x4c: {  	[hbm4b:s24+s3] =	stream.linear.scatter [tilespmem:s8], [sflag:$0x7], $0x4000, $0x38;
	[tilespmem:$0x1DC00] =	vst v63  }
0x4d: {  	s7 =	simm.s32 $0x0;
	s8 =	rddreg [dreg:$0x8]  }
.LBB2_2:
0x4e: {  	_ =	swait.ge [sflag:s31], $0x4000  }
0x4f: {  	s9 =	sadd.s32 s6, s8;
	[sflag:s31] =	ssyncset.done $0x0  }
0x50: {  	s24 =	sadd.s32 $0xFFFB0000, s9;
	[sflag:s31] =	ssyncadd.s32 $0xFFFFC000  }
0x51: {  	[hbm4b:s24+s3] =	stream.linear.scatter [tilespmem:s12], [sflag:$0x8], $0x4000, $0x38;
	[tilespmem:$0x1DC00] =	vst v63  }
0x52: {  	_ =	swait.ge [sflag:s0], $0x4000  }
0x53: {  	[sflag:s0] =	ssyncset.done $0x0  }
0x54: {  	s24 =	sadd.s32 $0xFFFC0000, s9;
	[sflag:s0] =	ssyncadd.s32 $0xFFFFC000  }
0x55: {  	[hbm4b:s24+s3] =	stream.linear.scatter [tilespmem:s14], [sflag:$0x9], $0x4000, $0x38;
	[tilespmem:$0x1DC00] =	vst v63  }
0x56: {  	_ =	swait.ge [sflag:s2], $0x4000  }
0x57: {  	[sflag:s2] =	ssyncset.done $0x0  }
0x58: {  	s24 =	sadd.s32 $0xFFFD0000, s9;
	[sflag:s2] =	ssyncadd.s32 $0xFFFFC000  }
0x59: {  	[hbm4b:s24+s3] =	stream.linear.scatter [tilespmem:s16], [sflag:$0xA], $0x4000, $0x38;
	[tilespmem:$0x1DC00] =	vst v63  }
0x5a: {  	_ =	swait.ge [sflag:s13], $0x4000  }
0x5b: {  	[sflag:s13] =	ssyncset.done $0x0  }
0x5c: {  	s24 =	sadd.s32 $0xFFFE0000, s9;
	[sflag:s13] =	ssyncadd.s32 $0xFFFFC000  }
0x5d: {  	[hbm4b:s24+s3] =	stream.linear.scatter [tilespmem:s18], [sflag:$0xB], $0x4000, $0x38;
	[tilespmem:$0x1DC00] =	vst v63  }
0x5e: {  	_ =	swait.ge [sflag:s15], $0x4000  }
0x5f: {  	[sflag:s15] =	ssyncset.done $0x0  }
0x60: {  	s24 =	sadd.s32 $0xFFFF0000, s9;
	[sflag:s15] =	ssyncadd.s32 $0xFFFFC000  }
0x61: {  	[hbm4b:s24+s3] =	stream.linear.scatter [tilespmem:s20], [sflag:$0xC], $0x4000, $0x38;
	[tilespmem:$0x1DC00] =	vst v63  }
0x62: {  	_ =	swait.ge [sflag:s17], $0x4000  }
0x63: {  	[sflag:s17] =	ssyncset.done $0x0  }
0x64: {  	[sflag:s17] =	ssyncadd.s32 $0xFFFFC000  }
0x65: {  	[hbm4b:s9+s3] =	stream.linear.scatter [tilespmem:s23], [sflag:$0xD], $0x4000, $0x38;
	[tilespmem:$0x1DC00] =	vst v63  }
0x66: {  	_ =	swait.ge [sflag:s19], $0x4000  }
0x67: {  	p0 =	seq.s32 s7, $0x5400;
	s9 =	sshra.s32 s7, $0x2;
	[sflag:s19] =	ssyncset.done $0x0  }
.Ltmp2:
0x68: {  	s24 =	sadd.s32 $0x380, s9;
	[sflag:s19] =	ssyncadd.s32 $0xFFFFC000;
	(pc) =	sbr.rel @p0 .LBB2_4-.Ltmp2, $4  }
0x69: {  	[tilespmem:s12], [sflag:$0x1] =	stream.indirect.gather [hbm4b:s1+s11], $0x80, s24, s11, $0xb8;
	[tilespmem:$0x1DC00] =	vst v63  }
0x6a: {  	_ =	swait.ge [sflag:s21], $0x4000  }
0x6b: {  	[sflag:s21] =	ssyncset.done $0x0  }
0x6c: {  	[sflag:s21] =	ssyncadd.s32 $0xFFFFC000  }
0x6d: {  	s24 =	sadd.s32 $0x400, s9  }
0x6e: {  	[tilespmem:s14], [sflag:$0x2] =	stream.indirect.gather [hbm4b:s1+s11], $0x80, s24, s11, $0xb8;
	[tilespmem:$0x1DC00] =	vst v63  }
0x6f: {  	_ =	swait.ge [sflag:s26], $0x4000  }
0x70: {  	[sflag:s26] =	ssyncset.done $0x0  }
0x71: {  	s24 =	sadd.s32 $0x480, s9;
	[sflag:s26] =	ssyncadd.s32 $0xFFFFC000  }
0x72: {  	[tilespmem:s16], [sflag:$0x3] =	stream.indirect.gather [hbm4b:s1+s11], $0x80, s24, s11, $0xb8;
	[tilespmem:$0x1DC00] =	vst v63  }
0x73: {  	_ =	swait.ge [sflag:s28], $0x4000  }
0x74: {  	[sflag:s28] =	ssyncset.done $0x0  }
0x75: {  	s24 =	sadd.s32 $0x500, s9;
	[sflag:s28] =	ssyncadd.s32 $0xFFFFC000  }
0x76: {  	[tilespmem:s18], [sflag:$0x4] =	stream.indirect.gather [hbm4b:s1+s11], $0x80, s24, s11, $0xb8;
	[tilespmem:$0x1DC00] =	vst v63  }
0x77: {  	_ =	swait.ge [sflag:s29], $0x4000  }
0x78: {  	[sflag:s29] =	ssyncset.done $0x0  }
0x79: {  	s24 =	sadd.s32 $0x580, s9;
	[sflag:s29] =	ssyncadd.s32 $0xFFFFC000  }
0x7a: {  	[tilespmem:s20], [sflag:$0x5] =	stream.indirect.gather [hbm4b:s1+s11], $0x80, s24, s11, $0xb8;
	[tilespmem:$0x1DC00] =	vst v63  }
.Ltmp3:
0x7b: {  	_ = 	snop;
	(pc) =	sbr.rel .LBB2_2-.Ltmp3, $4  }
0x7c: {  	_ =	swait.ge [sflag:s4], $0x4000  }
0x7d: {  	s7 =	sadd.s32 $0xC00, s7;
	[sflag:s4] =	ssyncset.done $0x0  }
0x7e: {  	s8 =	sadd.s32 $0x60000, s8;
	s24 =	sadd.s32 $0x600, s9;
	[sflag:s4] =	ssyncadd.s32 $0xFFFFC000  }
0x7f: {  	[tilespmem:s23], [sflag:$0x6] =	stream.indirect.gather [hbm4b:s1+s11], $0x80, s24, s11, $0xb8;
	[tilespmem:$0x1DC00] =	vst v63  }
.LBB2_5:
0x80: {  	_ =	sfence.sel $0x180000  }
0x81: {  	[bflag:$0x0] =	sbarrier.arrive $0xFFFF  }
0x82: {  	_ =	strace $0x90000047  }
0x83: {  	s0 =	stileid.u32;
	[bflag:$0x2] =	sbarrier.arrive $0xFFFF  }
0x84: {  	p0 =	sne.s32 s0, $0x0;
	s0 =	rddreg [dreg:$0x4]  }
0x85: {  	s0 =	sadd.s32 @!p0 $0x100000, s0  }
0x86: {  	[sflag:s0] =	ssyncadd.tile.s32 @!p0 $0x1;
	_ =	shalt  }
.Lfunc_end2:
_tile_overlayer_lowered:
.L_overlay_start_2:
0x87: {  	(tag) =	ssettag $0x2  }
0x88: {  	s0 =	rddreg [dreg:$0x0];
	s2 =	stileid.u32  }
0x89: {  	s1 =	rddreg [dreg:$0x1];
	p0 =	sne.s32 s2, $0x0  }
0x8a: {  	s3 =	rddreg [dreg:$0x2];
	[bflag:$0x3] =	sbarrier.arrive $0xFFFF;
	s2 =	simm.s32 @!p0 $0x1C0E  }
0x8b: {  	[timem:s3], [sflag:s2] =	dma.local @!p0 [hbm:s0], s1  }
0x8c: {  	s0 =	simm.s32 @!p0 $0xE  }
0x8d: {  	_ =	swait.ge @!p0 [sflag:s0], s1  }
0x8e: {  	s1 =	ssub.s32 @!p0 $0x0, s1;
	[sflag:s0] =	ssyncset.done @!p0 $0x0  }
0x8f: {  	[sflag:s0] =	ssyncadd.s32 @!p0 s1  }
0x90: {  	[bflag:$0x3] =	sbarrier.arrive $0xFFFF  }
0x91: {  	_ =	shalt  }

</sc_bundles>
